<compile_context>
chip_gen: v7x
topology: tpu7x:2x2x1
jax: 0.10.2.dev20260603
libtpu: 0.0.44.dev20260713+nightly
codegen_flags: <defaults>
</compile_context>

<pallas_src>
import functools

import jax
import jax.numpy as jnp
from jax import lax
from jax.experimental import pallas as pl
from jax.experimental.pallas import tpu as pltpu
from jax.experimental.pallas import tpu_sc as plsc

N = 10000
E = 320000
D_IN = 128
D_HID = 16
D_OUT = 40

NC = 2
NS = 16
NW = NC * NS
CH = 128
NCHUNK = 80
EPT = NCHUNK * CH
E_PAD = EPT * NW
N_PAD = 10240
RPC = N_PAD // NS
DUMMY = N_PAD - 1

_f32 = jnp.float32


NB = 4
PD = NB - 2
HALF = N_PAD // NC


def _agg_pipeline(feat_sh, agg_sh, deg_sh, ones_v, src_v, dst_v, rows,
                  gsems, ssems):
  for b in range(PD):
    pltpu.async_copy(feat_sh.at[src_v.at[b]], rows[b], gsems[b])

  @pl.loop(0, NCHUNK, step=NB)
  def _grp(j0):
    for b in range(NB):
      j = j0 + b
      bp = (b + PD) % NB
      jold = j + PD - NB
      pltpu.make_async_copy(feat_sh.at[src_v.at[j]], rows[b],
                            gsems[b]).wait()

      @pl.when(jold >= 0)
      def _retire():
        pltpu.make_async_copy(rows[bp], agg_sh.at[dst_v.at[jold]],
                              ssems[bp]).wait()
        if deg_sh is not None:
          pltpu.make_async_copy(ones_v, deg_sh.at[dst_v.at[jold]],
                                ssems[bp]).wait()

      @pl.when(j + PD < NCHUNK)
      def _prefetch():
        pltpu.async_copy(feat_sh.at[src_v.at[j + PD]], rows[bp], gsems[bp])

      pltpu.async_copy(rows[b], agg_sh.at[dst_v.at[j]], ssems[b], add=True)
      if deg_sh is not None:
        pltpu.async_copy(ones_v, deg_sh.at[dst_v.at[j]], ssems[b], add=True)

  for j in range(NCHUNK - (NB - PD), NCHUNK):
    b = j % NB
    pltpu.make_async_copy(rows[b], agg_sh.at[dst_v.at[j]], ssems[b]).wait()
    if deg_sh is not None:
      pltpu.make_async_copy(ones_v, deg_sh.at[dst_v.at[j]], ssems[b]).wait()


def _make_sc_agg(with_deg: bool):
  out_type = [jax.ShapeDtypeStruct((NC * N_PAD, D_HID), _f32)]
  if with_deg:
    out_type.append(jax.ShapeDtypeStruct((NC * N_PAD, D_HID), _f32))
  scratch = [
      pltpu.VMEM((NCHUNK, CH), jnp.int32),
      pltpu.VMEM((NCHUNK, CH), jnp.int32),
  ]
  scratch += [pltpu.VMEM((CH, D_HID), _f32) for _ in range(NB)]
  scratch += [
      pltpu.VMEM((CH, D_HID), _f32),
      pltpu.VMEM_SHARED((N_PAD, D_HID), _f32),
      pltpu.VMEM_SHARED((N_PAD, D_HID), _f32),
  ]
  scratch += [pltpu.SemaphoreType.DMA for _ in range(2 * NB)]
  if with_deg:
    scratch.append(pltpu.VMEM((CH, D_HID), _f32))
    scratch.append(pltpu.VMEM_SHARED((N_PAD, D_HID), _f32))

  mesh = plsc.VectorSubcoreMesh(core_axis_name="c", subcore_axis_name="s")

  def fn(src_hbm, dst_hbm, feat_hbm, zeros_hbm, ones_hbm, *rest):
    if with_deg:
      agg_out, deg_out = rest[0], rest[1]
      sc = rest[2:]
    else:
      agg_out, deg_out = rest[0], None
      sc = rest[1:]
    src_v, dst_v = sc[0], sc[1]
    rows = sc[2:2 + NB]
    zeros_v = sc[2 + NB]
    agg_sh = sc[3 + NB]
    feat_sh = sc[4 + NB]
    gsems = sc[5 + NB:5 + 2 * NB]
    ssems = sc[5 + 2 * NB:5 + 3 * NB]
    ones_v, deg_sh = None, None
    if with_deg:
      ones_v, deg_sh = sc[5 + 3 * NB], sc[6 + 3 * NB]

    c = lax.axis_index("c")
    s = lax.axis_index("s")
    wid = c * NS + s

    pltpu.sync_copy(src_hbm.at[pl.ds(wid * NCHUNK, NCHUNK)], src_v)
    pltpu.sync_copy(dst_hbm.at[pl.ds(wid * NCHUNK, NCHUNK)], dst_v)
    pltpu.sync_copy(zeros_hbm, zeros_v)
    if with_deg:
      pltpu.sync_copy(ones_hbm, ones_v)

    pltpu.sync_copy(feat_hbm.at[pl.ds(s * RPC, RPC)],
                    feat_sh.at[pl.ds(s * RPC, RPC)])

    for j in range(RPC // CH):
      off = s * RPC + j * CH
      pltpu.sync_copy(zeros_v, agg_sh.at[pl.ds(off, CH)])
      if with_deg:
        pltpu.sync_copy(zeros_v, deg_sh.at[pl.ds(off, CH)])
    plsc.subcore_barrier()

    _agg_pipeline(feat_sh, agg_sh, deg_sh, ones_v, src_v, dst_v, rows,
                  gsems, ssems)
    plsc.subcore_barrier()

    dst_off = c * N_PAD + s * RPC
    pltpu.sync_copy(agg_sh.at[pl.ds(s * RPC, RPC)],
                    agg_out.at[pl.ds(dst_off, RPC)])
    if with_deg:
      pltpu.sync_copy(deg_sh.at[pl.ds(s * RPC, RPC)],
                      deg_out.at[pl.ds(dst_off, RPC)])

  return pl.kernel(
      fn, out_type=out_type, mesh=mesh, scratch_types=scratch,
      compiler_params=pltpu.CompilerParams(use_tc_tiling_on_sc=False))


_sc_agg_deg = _make_sc_agg(True)


def _make_sc_pass2():
  out_type = [
      jax.ShapeDtypeStruct((NC * N_PAD, D_HID), _f32),
      jax.ShapeDtypeStruct((N_PAD, D_HID), _f32),
  ]
  scratch = [
      pltpu.VMEM((NCHUNK, CH), jnp.int32),
      pltpu.VMEM((NCHUNK, CH), jnp.int32),
  ]
  scratch += [pltpu.VMEM((CH, D_HID), _f32) for _ in range(NB)]
  scratch += [
      pltpu.VMEM((CH, D_HID), _f32),
      pltpu.VMEM((RPC, D_HID), _f32),
      pltpu.VMEM((RPC, D_HID), _f32),
      pltpu.VMEM((RPC, D_HID), _f32),
      pltpu.VMEM((RPC, D_HID), _f32),
      pltpu.VMEM((RPC, D_HID), _f32),
      pltpu.VMEM_SHARED((N_PAD, D_HID), _f32),
      pltpu.VMEM_SHARED((N_PAD, D_HID), _f32),
  ]
  scratch += [pltpu.SemaphoreType.DMA for _ in range(2 * NB)]

  mesh = plsc.VectorSubcoreMesh(core_axis_name="c", subcore_axis_name="s")

  def fn(src_hbm, dst_hbm, r1b_hbm, agg1_hbm, deg_hbm, zeros_hbm,
         agg2_out, h_out, src_v, dst_v, *sc):
    rows = sc[0:NB]
    zeros_v = sc[NB]
    hrow_v, a0_v, a1_v, d0_v, d1_v = sc[NB + 1:NB + 6]
    h_sh = sc[NB + 6]
    agg2_sh = sc[NB + 7]
    gsems = sc[NB + 8:NB + 8 + NB]
    ssems = sc[NB + 8 + NB:NB + 8 + 2 * NB]

    c = lax.axis_index("c")
    s = lax.axis_index("s")
    wid = c * NS + s
    base = s * RPC

    pltpu.sync_copy(src_hbm.at[pl.ds(wid * NCHUNK, NCHUNK)], src_v)
    pltpu.sync_copy(dst_hbm.at[pl.ds(wid * NCHUNK, NCHUNK)], dst_v)
    pltpu.sync_copy(zeros_hbm, zeros_v)
    pltpu.sync_copy(r1b_hbm.at[pl.ds(base, RPC)], hrow_v)
    pltpu.sync_copy(agg1_hbm.at[pl.ds(base, RPC)], a0_v)
    pltpu.sync_copy(agg1_hbm.at[pl.ds(N_PAD + base, RPC)], a1_v)
    pltpu.sync_copy(deg_hbm.at[pl.ds(base, RPC)], d0_v)
    pltpu.sync_copy(deg_hbm.at[pl.ds(N_PAD + base, RPC)], d1_v)

    @pl.loop(0, RPC)
    def _hrow(i):
      mean1 = (a0_v[i] + a1_v[i]) / jnp.maximum(d0_v[i] + d1_v[i], 1.0)
      hrow_v[i] = jnp.maximum(hrow_v[i] + mean1, 0.0)

    pltpu.sync_copy(hrow_v, h_sh.at[pl.ds(base, RPC)])

    @pl.when(s // (NS // NC) == c)
    def _publish():
      pltpu.sync_copy(hrow_v, h_out.at[pl.ds(base, RPC)])

    for j in range(RPC // CH):
      pltpu.sync_copy(zeros_v, agg2_sh.at[pl.ds(base + j * CH, CH)])
    plsc.subcore_barrier()

    _agg_pipeline(h_sh, agg2_sh, None, None, src_v, dst_v, rows,
                  gsems, ssems)
    plsc.subcore_barrier()
    pltpu.sync_copy(agg2_sh.at[pl.ds(base, RPC)],
                    agg2_out.at[pl.ds(c * N_PAD + base, RPC)])

  return pl.kernel(
      fn, out_type=out_type, mesh=mesh, scratch_types=scratch,
      compiler_params=pltpu.CompilerParams(use_tc_tiling_on_sc=False))


_sc_pass2 = _make_sc_pass2()


def _l1_proj_body(x_ref, wn_ref, wr_ref, b1_ref, p1_ref, r1b_ref):
  x = x_ref[...]
  p1_ref[:N] = jnp.dot(x, wn_ref[...], preferred_element_type=_f32)
  p1_ref[N:] = jnp.zeros((N_PAD - N, D_HID), _f32)
  r1b_ref[:N] = (jnp.dot(x, wr_ref[...], preferred_element_type=_f32)
                 + b1_ref[...])
  r1b_ref[N:] = jnp.zeros((N_PAD - N, D_HID), _f32)


def _l2_out_body(h_ref, agg_ref, deg_ref, wr_ref, wn_ref, b2_ref, o_ref):
  inv = 1.0 / jnp.maximum(deg_ref[:N] + deg_ref[N_PAD:N_PAD + N], 1.0)
  mean2 = (agg_ref[:N] + agg_ref[N_PAD:N_PAD + N]) * inv
  z = (jnp.dot(h_ref[:N], wr_ref[...], preferred_element_type=_f32)
       + jnp.dot(mean2, wn_ref[...], preferred_element_type=_f32)
       + b2_ref[...])
  z = z - jnp.max(z, axis=1, keepdims=True)
  o_ref[...] = z - jnp.log(jnp.sum(jnp.exp(z), axis=1, keepdims=True))


def kernel(x, edge_index, W1_root, W1_neigh, b1, W2_root, W2_neigh, b2):
  src = edge_index[0]
  dst = edge_index[1]
  pad = E_PAD - E
  src_p = jnp.concatenate([src, jnp.full((pad,), DUMMY, jnp.int32)])
  dst_p = jnp.concatenate([dst, jnp.full((pad,), DUMMY, jnp.int32)])
  src_p = src_p.reshape(NW * NCHUNK, CH)
  dst_p = dst_p.reshape(NW * NCHUNK, CH)
  zeros_c = jnp.zeros((CH, D_HID), _f32)
  ones_c = jnp.ones((CH, D_HID), _f32)

  p1, r1b = pl.pallas_call(
      _l1_proj_body,
      out_shape=[jax.ShapeDtypeStruct((N_PAD, D_HID), _f32),
                 jax.ShapeDtypeStruct((N_PAD, D_HID), _f32)],
  )(x, W1_neigh, W1_root, jnp.broadcast_to(b1, (1, D_HID)))

  agg1, deg = _sc_agg_deg(src_p, dst_p, p1, zeros_c, ones_c)

  agg2, h = _sc_pass2(src_p, dst_p, r1b, agg1, deg, zeros_c)

  out = pl.pallas_call(
      _l2_out_body,
      out_shape=jax.ShapeDtypeStruct((N, D_OUT), _f32),
  )(h, agg2, deg, W2_root, W2_neigh, jnp.broadcast_to(b2, (1, D_OUT)))
  return out

# --- scband reference (transcript-rebuilt; emitter-appended) ---
"""Pipeline reference for scband-sagenet-15530601742448 (READ-ONLY COPY).

The authoritative reference and input builder live on the scoring server;
editing this copy changes nothing except your own understanding.
"""

import jax, jax.numpy as jnp
import numpy as np

N = 10000
E = 320000
D_IN = 128
D_HID = 16
D_OUT = 40


def setup_inputs(seed: int = 0) -> dict:
    key = jax.random.key(seed)
    ks = jax.random.split(key, 9)
    x = jax.random.normal(ks[0], (N, D_IN), dtype=jnp.float32)
    edge_index = jax.random.randint(ks[1], (2, E), 0, N, dtype=jnp.int32)
    s1 = 1.0 / np.sqrt(D_IN)
    s2 = 1.0 / np.sqrt(D_HID)
    W1_root = jax.random.uniform(ks[2], (D_IN, D_HID), jnp.float32, -s1, s1)
    W1_neigh = jax.random.uniform(ks[3], (D_IN, D_HID), jnp.float32, -s1, s1)
    b1 = jax.random.uniform(ks[4], (D_HID,), jnp.float32, -s1, s1)
    W2_root = jax.random.uniform(ks[5], (D_HID, D_OUT), jnp.float32, -s2, s2)
    W2_neigh = jax.random.uniform(ks[6], (D_HID, D_OUT), jnp.float32, -s2, s2)
    b2 = jax.random.uniform(ks[7], (D_OUT,), jnp.float32, -s2, s2)
    return {"x": x, "edge_index": edge_index, "W1_root": W1_root,
            "W1_neigh": W1_neigh, "b1": b1, "W2_root": W2_root,
            "W2_neigh": W2_neigh, "b2": b2}


def _sage_conv(h, edge_index, W_root, W_neigh, b):
    src = edge_index[0]
    dst = edge_index[1]
    msgs = jnp.take(h, src, axis=0)
    agg = jax.ops.segment_sum(msgs, dst, num_segments=N)
    deg = jax.ops.segment_sum(jnp.ones((E,), dtype=h.dtype), dst, num_segments=N)
    mean = agg / jnp.clip(deg, 1.0)[:, None]
    return h @ W_root + mean @ W_neigh + b


def reference(x, edge_index, W1_root, W1_neigh, b1, W2_root, W2_neigh, b2):
    # SAGENet.forward: conv1 -> relu -> dropout(eval: identity) -> conv2 -> log_softmax
    h = jax.nn.relu(_sage_conv(x, edge_index, W1_root, W1_neigh, b1))
    out = _sage_conv(h, edge_index, W2_root, W2_neigh, b2)
    return jax.nn.log_softmax(out, axis=1)

if __name__ == "__main__":
    import jax
    _d = setup_inputs()
    print(jax.jit(kernel)(*tuple(_d.values())))

</pallas_src>

<mosaic_0001>
#map = affine_map<(d0, d1) -> (0, 0)>
module attributes {stable_mosaic.version = 14 : i64} {
  func.func @fn(%arg0: i32, %arg1: i32, %arg2: memref<2560x128xi32, #tpu.memory_space<hbm>>, %arg3: memref<2560x128xi32, #tpu.memory_space<hbm>>, %arg4: memref<10240x16xf32, #tpu.memory_space<hbm>>, %arg5: memref<128x16xf32, #tpu.memory_space<hbm>>, %arg6: memref<128x16xf32, #tpu.memory_space<hbm>>, %arg7: memref<20480x16xf32, #tpu.memory_space<hbm>>, %arg8: memref<20480x16xf32, #tpu.memory_space<hbm>>, %arg9: memref<80x128xi32, #tpu.memory_space<vmem>>, %arg10: memref<80x128xi32, #tpu.memory_space<vmem>>, %arg11: memref<128x16xf32, #tpu.memory_space<vmem>>, %arg12: memref<128x16xf32, #tpu.memory_space<vmem>>, %arg13: memref<128x16xf32, #tpu.memory_space<vmem>>, %arg14: memref<128x16xf32, #tpu.memory_space<vmem>>, %arg15: memref<128x16xf32, #tpu.memory_space<vmem>>, %arg16: memref<10240x16xf32, #tpu.memory_space<vmem_shared>>, %arg17: memref<10240x16xf32, #tpu.memory_space<vmem_shared>>, %arg18: memref<!tpu.dma_semaphore, #tpu.memory_space<semaphore_mem>>, %arg19: memref<!tpu.dma_semaphore, #tpu.memory_space<semaphore_mem>>, %arg20: memref<!tpu.dma_semaphore, #tpu.memory_space<semaphore_mem>>, %arg21: memref<!tpu.dma_semaphore, #tpu.memory_space<semaphore_mem>>, %arg22: memref<!tpu.dma_semaphore, #tpu.memory_space<semaphore_mem>>, %arg23: memref<!tpu.dma_semaphore, #tpu.memory_space<semaphore_mem>>, %arg24: memref<!tpu.dma_semaphore, #tpu.memory_space<semaphore_mem>>, %arg25: memref<!tpu.dma_semaphore, #tpu.memory_space<semaphore_mem>>, %arg26: memref<128x16xf32, #tpu.memory_space<vmem>>, %arg27: memref<10240x16xf32, #tpu.memory_space<vmem_shared>>) attributes {dimension_semantics = [#tpu.dimension_semantics<core_parallel>, #tpu.dimension_semantics<subcore_parallel>], iteration_bounds = array<i64: 2, 16>, scalar_prefetch = 0 : i64, scratch_operands = 19 : i64, tpu.core_type = #tpu.core_type<sc_vector_subcore>, window_params = [{transform_indices = #map}, {transform_indices = #map}, {transform_indices = #map}, {transform_indices = #map}, {transform_indices = #map}, {transform_indices = #map}, {transform_indices = #map}]} {
    %mul3A = arith.constant 16 : i32
    %mul3A_0 = arith.muli %arg0, %mul3A : i32
    %add3A = arith.addi %mul3A_0, %arg1 : i32
    %mul3A_1 = arith.constant 80 : i32
    %mul3A_2 = arith.muli %add3A, %mul3A_1 : i32
    "tpu.region"() ({
      %run_scoped3A = tpu.sem_alloc : memref<!tpu.dma_semaphore, #tpu.memory_space<semaphore_mem>>
      %dma_start3A_83 = arith.constant 0 : i32
      %dma_start3A_84 = tpu.memref_slice %arg2[%mul3A_2, %dma_start3A_83] : memref<2560x128xi32, #tpu.memory_space<hbm>> -> memref<80x128xi32, #tpu.memory_space<hbm>>
      %dma_start3A_85 = arith.constant 0 : i32
      %dma_start3A_86 = tpu.memref_slice %arg2[%mul3A_2, %dma_start3A_85] : memref<2560x128xi32, #tpu.memory_space<hbm>> -> memref<80x128xi32, #tpu.memory_space<hbm>>
      tpu.enqueue_dma source(%dma_start3A_86 : memref<80x128xi32, #tpu.memory_space<hbm>>) target(%arg9 : memref<80x128xi32, #tpu.memory_space<vmem>>) target_semaphore(%run_scoped3A : memref<!tpu.dma_semaphore, #tpu.memory_space<semaphore_mem>>)
      %dma_wait3A_87 = arith.constant 0 : i32
      %dma_wait3A_88 = tpu.memref_slice %arg2[%mul3A_2, %dma_wait3A_87] : memref<2560x128xi32, #tpu.memory_space<hbm>> -> memref<80x128xi32, #tpu.memory_space<hbm>>
      %dma_wait3A_89 = arith.constant 0 : i32
      %dma_wait3A_90 = tpu.memref_slice %arg2[%mul3A_2, %dma_wait3A_89] : memref<2560x128xi32, #tpu.memory_space<hbm>> -> memref<80x128xi32, #tpu.memory_space<hbm>>
      tpu.wait_dma2 semaphore(%run_scoped3A : memref<!tpu.dma_semaphore, #tpu.memory_space<semaphore_mem>>) src(%dma_wait3A_90 : memref<80x128xi32, #tpu.memory_space<hbm>>) dst(%arg9 : memref<80x128xi32, #tpu.memory_space<vmem>>)
      tpu.yield
    }) : () -> ()
    %mul3A_3 = arith.constant 80 : i32
    %mul3A_4 = arith.muli %add3A, %mul3A_3 : i32
    "tpu.region"() ({
      %run_scoped3A = tpu.sem_alloc : memref<!tpu.dma_semaphore, #tpu.memory_space<semaphore_mem>>
      %dma_start3A_83 = arith.constant 0 : i32
      %dma_start3A_84 = tpu.memref_slice %arg3[%mul3A_4, %dma_start3A_83] : memref<2560x128xi32, #tpu.memory_space<hbm>> -> memref<80x128xi32, #tpu.memory_space<hbm>>
      %dma_start3A_85 = arith.constant 0 : i32
      %dma_start3A_86 = tpu.memref_slice %arg3[%mul3A_4, %dma_start3A_85] : memref<2560x128xi32, #tpu.memory_space<hbm>> -> memref<80x128xi32, #tpu.memory_space<hbm>>
      tpu.enqueue_dma source(%dma_start3A_86 : memref<80x128xi32, #tpu.memory_space<hbm>>) target(%arg10 : memref<80x128xi32, #tpu.memory_space<vmem>>) target_semaphore(%run_scoped3A : memref<!tpu.dma_semaphore, #tpu.memory_space<semaphore_mem>>)
      %dma_wait3A_87 = arith.constant 0 : i32
      %dma_wait3A_88 = tpu.memref_slice %arg3[%mul3A_4, %dma_wait3A_87] : memref<2560x128xi32, #tpu.memory_space<hbm>> -> memref<80x128xi32, #tpu.memory_space<hbm>>
      %dma_wait3A_89 = arith.constant 0 : i32
      %dma_wait3A_90 = tpu.memref_slice %arg3[%mul3A_4, %dma_wait3A_89] : memref<2560x128xi32, #tpu.memory_space<hbm>> -> memref<80x128xi32, #tpu.memory_space<hbm>>
      tpu.wait_dma2 semaphore(%run_scoped3A : memref<!tpu.dma_semaphore, #tpu.memory_space<semaphore_mem>>) src(%dma_wait3A_90 : memref<80x128xi32, #tpu.memory_space<hbm>>) dst(%arg10 : memref<80x128xi32, #tpu.memory_space<vmem>>)
      tpu.yield
    }) : () -> ()
    "tpu.region"() ({
      %run_scoped3A = tpu.sem_alloc : memref<!tpu.dma_semaphore, #tpu.memory_space<semaphore_mem>>
      tpu.enqueue_dma source(%arg5 : memref<128x16xf32, #tpu.memory_space<hbm>>) target(%arg15 : memref<128x16xf32, #tpu.memory_space<vmem>>) target_semaphore(%run_scoped3A : memref<!tpu.dma_semaphore, #tpu.memory_space<semaphore_mem>>)
      tpu.wait_dma2 semaphore(%run_scoped3A : memref<!tpu.dma_semaphore, #tpu.memory_space<semaphore_mem>>) src(%arg5 : memref<128x16xf32, #tpu.memory_space<hbm>>) dst(%arg15 : memref<128x16xf32, #tpu.memory_space<vmem>>)
      tpu.yield
    }) : () -> ()
    "tpu.region"() ({
      %run_scoped3A = tpu.sem_alloc : memref<!tpu.dma_semaphore, #tpu.memory_space<semaphore_mem>>
      tpu.enqueue_dma source(%arg6 : memref<128x16xf32, #tpu.memory_space<hbm>>) target(%arg26 : memref<128x16xf32, #tpu.memory_space<vmem>>) target_semaphore(%run_scoped3A : memref<!tpu.dma_semaphore, #tpu.memory_space<semaphore_mem>>)
      tpu.wait_dma2 semaphore(%run_scoped3A : memref<!tpu.dma_semaphore, #tpu.memory_space<semaphore_mem>>) src(%arg6 : memref<128x16xf32, #tpu.memory_space<hbm>>) dst(%arg26 : memref<128x16xf32, #tpu.memory_space<vmem>>)
      tpu.yield
    }) : () -> ()
    %mul3A_5 = arith.constant 640 : i32
    %mul3A_6 = arith.muli %arg1, %mul3A_5 : i32
    %mul3A_7 = arith.constant 640 : i32
    %mul3A_8 = arith.muli %arg1, %mul3A_7 : i32
    "tpu.region"() ({
      %run_scoped3A = tpu.sem_alloc : memref<!tpu.dma_semaphore, #tpu.memory_space<semaphore_mem>>
      %dma_start3A_83 = arith.constant 0 : i32
      %dma_start3A_84 = tpu.memref_slice %arg17[%mul3A_8, %dma_start3A_83] : memref<10240x16xf32, #tpu.memory_space<vmem_shared>> -> memref<640x16xf32, #tpu.memory_space<vmem_shared>>
      %dma_start3A_85 = arith.constant 0 : i32
      %dma_start3A_86 = tpu.memref_slice %arg4[%mul3A_6, %dma_start3A_85] : memref<10240x16xf32, #tpu.memory_space<hbm>> -> memref<640x16xf32, #tpu.memory_space<hbm>>
      tpu.enqueue_dma source(%dma_start3A_86 : memref<640x16xf32, #tpu.memory_space<hbm>>) target(%dma_start3A_84 : memref<640x16xf32, #tpu.memory_space<vmem_shared>>) target_semaphore(%run_scoped3A : memref<!tpu.dma_semaphore, #tpu.memory_space<semaphore_mem>>)
      %dma_wait3A_87 = arith.constant 0 : i32
      %dma_wait3A_88 = tpu.memref_slice %arg17[%mul3A_8, %dma_wait3A_87] : memref<10240x16xf32, #tpu.memory_space<vmem_shared>> -> memref<640x16xf32, #tpu.memory_space<vmem_shared>>
      %dma_wait3A_89 = arith.constant 0 : i32
      %dma_wait3A_90 = tpu.memref_slice %arg4[%mul3A_6, %dma_wait3A_89] : memref<10240x16xf32, #tpu.memory_space<hbm>> -> memref<640x16xf32, #tpu.memory_space<hbm>>
      tpu.wait_dma2 semaphore(%run_scoped3A : memref<!tpu.dma_semaphore, #tpu.memory_space<semaphore_mem>>) src(%dma_wait3A_90 : memref<640x16xf32, #tpu.memory_space<hbm>>) dst(%dma_wait3A_88 : memref<640x16xf32, #tpu.memory_space<vmem_shared>>)
      tpu.yield
    }) : () -> ()
    %mul3A_9 = arith.constant 640 : i32
    %mul3A_10 = arith.muli %arg1, %mul3A_9 : i32
    %add3A_11 = arith.constant 0 : i32
    %add3A_12 = arith.addi %mul3A_10, %add3A_11 : i32
    "tpu.region"() ({
      %run_scoped3A = tpu.sem_alloc : memref<!tpu.dma_semaphore, #tpu.memory_space<semaphore_mem>>
      %dma_start3A_83 = arith.constant 0 : i32
      %dma_start3A_84 = tpu.memref_slice %arg16[%add3A_12, %dma_start3A_83] : memref<10240x16xf32, #tpu.memory_space<vmem_shared>> -> memref<128x16xf32, #tpu.memory_space<vmem_shared>>
      %dma_start3A_85 = arith.constant 0 : i32
      %dma_start3A_86 = tpu.memref_slice %arg16[%add3A_12, %dma_start3A_85] : memref<10240x16xf32, #tpu.memory_space<vmem_shared>> -> memref<128x16xf32, #tpu.memory_space<vmem_shared>>
      tpu.enqueue_dma source(%arg15 : memref<128x16xf32, #tpu.memory_space<vmem>>) target(%dma_start3A_86 : memref<128x16xf32, #tpu.memory_space<vmem_shared>>) target_semaphore(%run_scoped3A : memref<!tpu.dma_semaphore, #tpu.memory_space<semaphore_mem>>)
      %dma_wait3A_87 = arith.constant 0 : i32
      %dma_wait3A_88 = tpu.memref_slice %arg16[%add3A_12, %dma_wait3A_87] : memref<10240x16xf32, #tpu.memory_space<vmem_shared>> -> memref<128x16xf32, #tpu.memory_space<vmem_shared>>
      %dma_wait3A_89 = arith.constant 0 : i32
      %dma_wait3A_90 = tpu.memref_slice %arg16[%add3A_12, %dma_wait3A_89] : memref<10240x16xf32, #tpu.memory_space<vmem_shared>> -> memref<128x16xf32, #tpu.memory_space<vmem_shared>>
      tpu.wait_dma2 semaphore(%run_scoped3A : memref<!tpu.dma_semaphore, #tpu.memory_space<semaphore_mem>>) src(%arg15 : memref<128x16xf32, #tpu.memory_space<vmem>>) dst(%dma_wait3A_90 : memref<128x16xf32, #tpu.memory_space<vmem_shared>>)
      tpu.yield
    }) : () -> ()
    "tpu.region"() ({
      %run_scoped3A = tpu.sem_alloc : memref<!tpu.dma_semaphore, #tpu.memory_space<semaphore_mem>>
      %dma_start3A_83 = arith.constant 0 : i32
      %dma_start3A_84 = tpu.memref_slice %arg27[%add3A_12, %dma_start3A_83] : memref<10240x16xf32, #tpu.memory_space<vmem_shared>> -> memref<128x16xf32, #tpu.memory_space<vmem_shared>>
      %dma_start3A_85 = arith.constant 0 : i32
      %dma_start3A_86 = tpu.memref_slice %arg27[%add3A_12, %dma_start3A_85] : memref<10240x16xf32, #tpu.memory_space<vmem_shared>> -> memref<128x16xf32, #tpu.memory_space<vmem_shared>>
      tpu.enqueue_dma source(%arg15 : memref<128x16xf32, #tpu.memory_space<vmem>>) target(%dma_start3A_86 : memref<128x16xf32, #tpu.memory_space<vmem_shared>>) target_semaphore(%run_scoped3A : memref<!tpu.dma_semaphore, #tpu.memory_space<semaphore_mem>>)
      %dma_wait3A_87 = arith.constant 0 : i32
      %dma_wait3A_88 = tpu.memref_slice %arg27[%add3A_12, %dma_wait3A_87] : memref<10240x16xf32, #tpu.memory_space<vmem_shared>> -> memref<128x16xf32, #tpu.memory_space<vmem_shared>>
      %dma_wait3A_89 = arith.constant 0 : i32
      %dma_wait3A_90 = tpu.memref_slice %arg27[%add3A_12, %dma_wait3A_89] : memref<10240x16xf32, #tpu.memory_space<vmem_shared>> -> memref<128x16xf32, #tpu.memory_space<vmem_shared>>
      tpu.wait_dma2 semaphore(%run_scoped3A : memref<!tpu.dma_semaphore, #tpu.memory_space<semaphore_mem>>) src(%arg15 : memref<128x16xf32, #tpu.memory_space<vmem>>) dst(%dma_wait3A_90 : memref<128x16xf32, #tpu.memory_space<vmem_shared>>)
      tpu.yield
    }) : () -> ()
    %mul3A_13 = arith.constant 640 : i32
    %mul3A_14 = arith.muli %arg1, %mul3A_13 : i32
    %add3A_15 = arith.constant 128 : i32
    %add3A_16 = arith.addi %mul3A_14, %add3A_15 : i32
    "tpu.region"() ({
      %run_scoped3A = tpu.sem_alloc : memref<!tpu.dma_semaphore, #tpu.memory_space<semaphore_mem>>
      %dma_start3A_83 = arith.constant 0 : i32
      %dma_start3A_84 = tpu.memref_slice %arg16[%add3A_16, %dma_start3A_83] : memref<10240x16xf32, #tpu.memory_space<vmem_shared>> -> memref<128x16xf32, #tpu.memory_space<vmem_shared>>
      %dma_start3A_85 = arith.constant 0 : i32
      %dma_start3A_86 = tpu.memref_slice %arg16[%add3A_16, %dma_start3A_85] : memref<10240x16xf32, #tpu.memory_space<vmem_shared>> -> memref<128x16xf32, #tpu.memory_space<vmem_shared>>
      tpu.enqueue_dma source(%arg15 : memref<128x16xf32, #tpu.memory_space<vmem>>) target(%dma_start3A_86 : memref<128x16xf32, #tpu.memory_space<vmem_shared>>) target_semaphore(%run_scoped3A : memref<!tpu.dma_semaphore, #tpu.memory_space<semaphore_mem>>)
      %dma_wait3A_87 = arith.constant 0 : i32
      %dma_wait3A_88 = tpu.memref_slice %arg16[%add3A_16, %dma_wait3A_87] : memref<10240x16xf32, #tpu.memory_space<vmem_shared>> -> memref<128x16xf32, #tpu.memory_space<vmem_shared>>
      %dma_wait3A_89 = arith.constant 0 : i32
      %dma_wait3A_90 = tpu.memref_slice %arg16[%add3A_16, %dma_wait3A_89] : memref<10240x16xf32, #tpu.memory_space<vmem_shared>> -> memref<128x16xf32, #tpu.memory_space<vmem_shared>>
      tpu.wait_dma2 semaphore(%run_scoped3A : memref<!tpu.dma_semaphore, #tpu.memory_space<semaphore_mem>>) src(%arg15 : memref<128x16xf32, #tpu.memory_space<vmem>>) dst(%dma_wait3A_90 : memref<128x16xf32, #tpu.memory_space<vmem_shared>>)
      tpu.yield
    }) : () -> ()
    "tpu.region"() ({
      %run_scoped3A = tpu.sem_alloc : memref<!tpu.dma_semaphore, #tpu.memory_space<semaphore_mem>>
      %dma_start3A_83 = arith.constant 0 : i32
      %dma_start3A_84 = tpu.memref_slice %arg27[%add3A_16, %dma_start3A_83] : memref<10240x16xf32, #tpu.memory_space<vmem_shared>> -> memref<128x16xf32, #tpu.memory_space<vmem_shared>>
      %dma_start3A_85 = arith.constant 0 : i32
      %dma_start3A_86 = tpu.memref_slice %arg27[%add3A_16, %dma_start3A_85] : memref<10240x16xf32, #tpu.memory_space<vmem_shared>> -> memref<128x16xf32, #tpu.memory_space<vmem_shared>>
      tpu.enqueue_dma source(%arg15 : memref<128x16xf32, #tpu.memory_space<vmem>>) target(%dma_start3A_86 : memref<128x16xf32, #tpu.memory_space<vmem_shared>>) target_semaphore(%run_scoped3A : memref<!tpu.dma_semaphore, #tpu.memory_space<semaphore_mem>>)
      %dma_wait3A_87 = arith.constant 0 : i32
      %dma_wait3A_88 = tpu.memref_slice %arg27[%add3A_16, %dma_wait3A_87] : memref<10240x16xf32, #tpu.memory_space<vmem_shared>> -> memref<128x16xf32, #tpu.memory_space<vmem_shared>>
      %dma_wait3A_89 = arith.constant 0 : i32
      %dma_wait3A_90 = tpu.memref_slice %arg27[%add3A_16, %dma_wait3A_89] : memref<10240x16xf32, #tpu.memory_space<vmem_shared>> -> memref<128x16xf32, #tpu.memory_space<vmem_shared>>
      tpu.wait_dma2 semaphore(%run_scoped3A : memref<!tpu.dma_semaphore, #tpu.memory_space<semaphore_mem>>) src(%arg15 : memref<128x16xf32, #tpu.memory_space<vmem>>) dst(%dma_wait3A_90 : memref<128x16xf32, #tpu.memory_space<vmem_shared>>)
      tpu.yield
    }) : () -> ()
    %mul3A_17 = arith.constant 640 : i32
    %mul3A_18 = arith.muli %arg1, %mul3A_17 : i32
    %add3A_19 = arith.constant 256 : i32
    %add3A_20 = arith.addi %mul3A_18, %add3A_19 : i32
    "tpu.region"() ({
      %run_scoped3A = tpu.sem_alloc : memref<!tpu.dma_semaphore, #tpu.memory_space<semaphore_mem>>
      %dma_start3A_83 = arith.constant 0 : i32
      %dma_start3A_84 = tpu.memref_slice %arg16[%add3A_20, %dma_start3A_83] : memref<10240x16xf32, #tpu.memory_space<vmem_shared>> -> memref<128x16xf32, #tpu.memory_space<vmem_shared>>
      %dma_start3A_85 = arith.constant 0 : i32
      %dma_start3A_86 = tpu.memref_slice %arg16[%add3A_20, %dma_start3A_85] : memref<10240x16xf32, #tpu.memory_space<vmem_shared>> -> memref<128x16xf32, #tpu.memory_space<vmem_shared>>
      tpu.enqueue_dma source(%arg15 : memref<128x16xf32, #tpu.memory_space<vmem>>) target(%dma_start3A_86 : memref<128x16xf32, #tpu.memory_space<vmem_shared>>) target_semaphore(%run_scoped3A : memref<!tpu.dma_semaphore, #tpu.memory_space<semaphore_mem>>)
      %dma_wait3A_87 = arith.constant 0 : i32
      %dma_wait3A_88 = tpu.memref_slice %arg16[%add3A_20, %dma_wait3A_87] : memref<10240x16xf32, #tpu.memory_space<vmem_shared>> -> memref<128x16xf32, #tpu.memory_space<vmem_shared>>
      %dma_wait3A_89 = arith.constant 0 : i32
      %dma_wait3A_90 = tpu.memref_slice %arg16[%add3A_20, %dma_wait3A_89] : memref<10240x16xf32, #tpu.memory_space<vmem_shared>> -> memref<128x16xf32, #tpu.memory_space<vmem_shared>>
      tpu.wait_dma2 semaphore(%run_scoped3A : memref<!tpu.dma_semaphore, #tpu.memory_space<semaphore_mem>>) src(%arg15 : memref<128x16xf32, #tpu.memory_space<vmem>>) dst(%dma_wait3A_90 : memref<128x16xf32, #tpu.memory_space<vmem_shared>>)
      tpu.yield
    }) : () -> ()
    "tpu.region"() ({
      %run_scoped3A = tpu.sem_alloc : memref<!tpu.dma_semaphore, #tpu.memory_space<semaphore_mem>>
      %dma_start3A_83 = arith.constant 0 : i32
      %dma_start3A_84 = tpu.memref_slice %arg27[%add3A_20, %dma_start3A_83] : memref<10240x16xf32, #tpu.memory_space<vmem_shared>> -> memref<128x16xf32, #tpu.memory_space<vmem_shared>>
      %dma_start3A_85 = arith.constant 0 : i32
      %dma_start3A_86 = tpu.memref_slice %arg27[%add3A_20, %dma_start3A_85] : memref<10240x16xf32, #tpu.memory_space<vmem_shared>> -> memref<128x16xf32, #tpu.memory_space<vmem_shared>>
      tpu.enqueue_dma source(%arg15 : memref<128x16xf32, #tpu.memory_space<vmem>>) target(%dma_start3A_86 : memref<128x16xf32, #tpu.memory_space<vmem_shared>>) target_semaphore(%run_scoped3A : memref<!tpu.dma_semaphore, #tpu.memory_space<semaphore_mem>>)
      %dma_wait3A_87 = arith.constant 0 : i32
      %dma_wait3A_88 = tpu.memref_slice %arg27[%add3A_20, %dma_wait3A_87] : memref<10240x16xf32, #tpu.memory_space<vmem_shared>> -> memref<128x16xf32, #tpu.memory_space<vmem_shared>>
      %dma_wait3A_89 = arith.constant 0 : i32
      %dma_wait3A_90 = tpu.memref_slice %arg27[%add3A_20, %dma_wait3A_89] : memref<10240x16xf32, #tpu.memory_space<vmem_shared>> -> memref<128x16xf32, #tpu.memory_space<vmem_shared>>
      tpu.wait_dma2 semaphore(%run_scoped3A : memref<!tpu.dma_semaphore, #tpu.memory_space<semaphore_mem>>) src(%arg15 : memref<128x16xf32, #tpu.memory_space<vmem>>) dst(%dma_wait3A_90 : memref<128x16xf32, #tpu.memory_space<vmem_shared>>)
      tpu.yield
    }) : () -> ()
    %mul3A_21 = arith.constant 640 : i32
    %mul3A_22 = arith.muli %arg1, %mul3A_21 : i32
    %add3A_23 = arith.constant 384 : i32
    %add3A_24 = arith.addi %mul3A_22, %add3A_23 : i32
    "tpu.region"() ({
      %run_scoped3A = tpu.sem_alloc : memref<!tpu.dma_semaphore, #tpu.memory_space<semaphore_mem>>
      %dma_start3A_83 = arith.constant 0 : i32
      %dma_start3A_84 = tpu.memref_slice %arg16[%add3A_24, %dma_start3A_83] : memref<10240x16xf32, #tpu.memory_space<vmem_shared>> -> memref<128x16xf32, #tpu.memory_space<vmem_shared>>
      %dma_start3A_85 = arith.constant 0 : i32
      %dma_start3A_86 = tpu.memref_slice %arg16[%add3A_24, %dma_start3A_85] : memref<10240x16xf32, #tpu.memory_space<vmem_shared>> -> memref<128x16xf32, #tpu.memory_space<vmem_shared>>
      tpu.enqueue_dma source(%arg15 : memref<128x16xf32, #tpu.memory_space<vmem>>) target(%dma_start3A_86 : memref<128x16xf32, #tpu.memory_space<vmem_shared>>) target_semaphore(%run_scoped3A : memref<!tpu.dma_semaphore, #tpu.memory_space<semaphore_mem>>)
      %dma_wait3A_87 = arith.constant 0 : i32
      %dma_wait3A_88 = tpu.memref_slice %arg16[%add3A_24, %dma_wait3A_87] : memref<10240x16xf32, #tpu.memory_space<vmem_shared>> -> memref<128x16xf32, #tpu.memory_space<vmem_shared>>
      %dma_wait3A_89 = arith.constant 0 : i32
      %dma_wait3A_90 = tpu.memref_slice %arg16[%add3A_24, %dma_wait3A_89] : memref<10240x16xf32, #tpu.memory_space<vmem_shared>> -> memref<128x16xf32, #tpu.memory_space<vmem_shared>>
      tpu.wait_dma2 semaphore(%run_scoped3A : memref<!tpu.dma_semaphore, #tpu.memory_space<semaphore_mem>>) src(%arg15 : memref<128x16xf32, #tpu.memory_space<vmem>>) dst(%dma_wait3A_90 : memref<128x16xf32, #tpu.memory_space<vmem_shared>>)
      tpu.yield
    }) : () -> ()
    "tpu.region"() ({
      %run_scoped3A = tpu.sem_alloc : memref<!tpu.dma_semaphore, #tpu.memory_space<semaphore_mem>>
      %dma_start3A_83 = arith.constant 0 : i32
      %dma_start3A_84 = tpu.memref_slice %arg27[%add3A_24, %dma_start3A_83] : memref<10240x16xf32, #tpu.memory_space<vmem_shared>> -> memref<128x16xf32, #tpu.memory_space<vmem_shared>>
      %dma_start3A_85 = arith.constant 0 : i32
      %dma_start3A_86 = tpu.memref_slice %arg27[%add3A_24, %dma_start3A_85] : memref<10240x16xf32, #tpu.memory_space<vmem_shared>> -> memref<128x16xf32, #tpu.memory_space<vmem_shared>>
      tpu.enqueue_dma source(%arg15 : memref<128x16xf32, #tpu.memory_space<vmem>>) target(%dma_start3A_86 : memref<128x16xf32, #tpu.memory_space<vmem_shared>>) target_semaphore(%run_scoped3A : memref<!tpu.dma_semaphore, #tpu.memory_space<semaphore_mem>>)
      %dma_wait3A_87 = arith.constant 0 : i32
      %dma_wait3A_88 = tpu.memref_slice %arg27[%add3A_24, %dma_wait3A_87] : memref<10240x16xf32, #tpu.memory_space<vmem_shared>> -> memref<128x16xf32, #tpu.memory_space<vmem_shared>>
      %dma_wait3A_89 = arith.constant 0 : i32
      %dma_wait3A_90 = tpu.memref_slice %arg27[%add3A_24, %dma_wait3A_89] : memref<10240x16xf32, #tpu.memory_space<vmem_shared>> -> memref<128x16xf32, #tpu.memory_space<vmem_shared>>
      tpu.wait_dma2 semaphore(%run_scoped3A : memref<!tpu.dma_semaphore, #tpu.memory_space<semaphore_mem>>) src(%arg15 : memref<128x16xf32, #tpu.memory_space<vmem>>) dst(%dma_wait3A_90 : memref<128x16xf32, #tpu.memory_space<vmem_shared>>)
      tpu.yield
    }) : () -> ()
    %mul3A_25 = arith.constant 640 : i32
    %mul3A_26 = arith.muli %arg1, %mul3A_25 : i32
    %add3A_27 = arith.constant 512 : i32
    %add3A_28 = arith.addi %mul3A_26, %add3A_27 : i32
    "tpu.region"() ({
      %run_scoped3A = tpu.sem_alloc : memref<!tpu.dma_semaphore, #tpu.memory_space<semaphore_mem>>
      %dma_start3A_83 = arith.constant 0 : i32
      %dma_start3A_84 = tpu.memref_slice %arg16[%add3A_28, %dma_start3A_83] : memref<10240x16xf32, #tpu.memory_space<vmem_shared>> -> memref<128x16xf32, #tpu.memory_space<vmem_shared>>
      %dma_start3A_85 = arith.constant 0 : i32
      %dma_start3A_86 = tpu.memref_slice %arg16[%add3A_28, %dma_start3A_85] : memref<10240x16xf32, #tpu.memory_space<vmem_shared>> -> memref<128x16xf32, #tpu.memory_space<vmem_shared>>
      tpu.enqueue_dma source(%arg15 : memref<128x16xf32, #tpu.memory_space<vmem>>) target(%dma_start3A_86 : memref<128x16xf32, #tpu.memory_space<vmem_shared>>) target_semaphore(%run_scoped3A : memref<!tpu.dma_semaphore, #tpu.memory_space<semaphore_mem>>)
      %dma_wait3A_87 = arith.constant 0 : i32
      %dma_wait3A_88 = tpu.memref_slice %arg16[%add3A_28, %dma_wait3A_87] : memref<10240x16xf32, #tpu.memory_space<vmem_shared>> -> memref<128x16xf32, #tpu.memory_space<vmem_shared>>
      %dma_wait3A_89 = arith.constant 0 : i32
      %dma_wait3A_90 = tpu.memref_slice %arg16[%add3A_28, %dma_wait3A_89] : memref<10240x16xf32, #tpu.memory_space<vmem_shared>> -> memref<128x16xf32, #tpu.memory_space<vmem_shared>>
      tpu.wait_dma2 semaphore(%run_scoped3A : memref<!tpu.dma_semaphore, #tpu.memory_space<semaphore_mem>>) src(%arg15 : memref<128x16xf32, #tpu.memory_space<vmem>>) dst(%dma_wait3A_90 : memref<128x16xf32, #tpu.memory_space<vmem_shared>>)
      tpu.yield
    }) : () -> ()
    "tpu.region"() ({
      %run_scoped3A = tpu.sem_alloc : memref<!tpu.dma_semaphore, #tpu.memory_space<semaphore_mem>>
      %dma_start3A_83 = arith.constant 0 : i32
      %dma_start3A_84 = tpu.memref_slice %arg27[%add3A_28, %dma_start3A_83] : memref<10240x16xf32, #tpu.memory_space<vmem_shared>> -> memref<128x16xf32, #tpu.memory_space<vmem_shared>>
      %dma_start3A_85 = arith.constant 0 : i32
      %dma_start3A_86 = tpu.memref_slice %arg27[%add3A_28, %dma_start3A_85] : memref<10240x16xf32, #tpu.memory_space<vmem_shared>> -> memref<128x16xf32, #tpu.memory_space<vmem_shared>>
      tpu.enqueue_dma source(%arg15 : memref<128x16xf32, #tpu.memory_space<vmem>>) target(%dma_start3A_86 : memref<128x16xf32, #tpu.memory_space<vmem_shared>>) target_semaphore(%run_scoped3A : memref<!tpu.dma_semaphore, #tpu.memory_space<semaphore_mem>>)
      %dma_wait3A_87 = arith.constant 0 : i32
      %dma_wait3A_88 = tpu.memref_slice %arg27[%add3A_28, %dma_wait3A_87] : memref<10240x16xf32, #tpu.memory_space<vmem_shared>> -> memref<128x16xf32, #tpu.memory_space<vmem_shared>>
      %dma_wait3A_89 = arith.constant 0 : i32
      %dma_wait3A_90 = tpu.memref_slice %arg27[%add3A_28, %dma_wait3A_89] : memref<10240x16xf32, #tpu.memory_space<vmem_shared>> -> memref<128x16xf32, #tpu.memory_space<vmem_shared>>
      tpu.wait_dma2 semaphore(%run_scoped3A : memref<!tpu.dma_semaphore, #tpu.memory_space<semaphore_mem>>) src(%arg15 : memref<128x16xf32, #tpu.memory_space<vmem>>) dst(%dma_wait3A_90 : memref<128x16xf32, #tpu.memory_space<vmem_shared>>)
      tpu.yield
    }) : () -> ()
    %barrier3A = arith.constant 0 : index
    tpu.barrier barrier_id(%barrier3A)
    %dma_start3A = arith.constant 0 : i32
    %dma_start3A_29 = arith.constant 0 : i32
    %dma_start3A_30 = tpu.memref_slice %arg9[%dma_start3A, %dma_start3A_29] : memref<80x128xi32, #tpu.memory_space<vmem>> -> memref<1x128xi32, #tpu.memory_space<vmem>>
    %dma_start3A_31 = tpu.memref_squeeze %dma_start3A_30 : memref<1x128xi32, #tpu.memory_space<vmem>> -> memref<128xi32, #tpu.memory_space<vmem>>
    %dma_start3A_32 = arith.constant 0 : i32
    %dma_start3A_33 = arith.constant 0 : i32
    %dma_start3A_34 = tpu.memref_slice %arg17[%dma_start3A_32, %dma_start3A_33] : memref<10240x16xf32, #tpu.memory_space<vmem_shared>> -> memref<10240x16xf32, #tpu.memory_space<vmem_shared>>
    tpu.enqueue_indirect_dma source(%dma_start3A_34 : memref<10240x16xf32, #tpu.memory_space<vmem_shared>>) target(%arg11 : memref<128x16xf32, #tpu.memory_space<vmem>>) offsets(%dma_start3A_31 : memref<128xi32, #tpu.memory_space<vmem>>) semaphore(%arg18 : memref<!tpu.dma_semaphore, #tpu.memory_space<semaphore_mem>>)
    %dma_start3A_35 = arith.constant 1 : i32
    %dma_start3A_36 = arith.constant 0 : i32
    %dma_start3A_37 = tpu.memref_slice %arg9[%dma_start3A_35, %dma_start3A_36] : memref<80x128xi32, #tpu.memory_space<vmem>> -> memref<1x128xi32, #tpu.memory_space<vmem>>
    %dma_start3A_38 = tpu.memref_squeeze %dma_start3A_37 : memref<1x128xi32, #tpu.memory_space<vmem>> -> memref<128xi32, #tpu.memory_space<vmem>>
    %dma_start3A_39 = arith.constant 0 : i32
    %dma_start3A_40 = arith.constant 0 : i32
    %dma_start3A_41 = tpu.memref_slice %arg17[%dma_start3A_39, %dma_start3A_40] : memref<10240x16xf32, #tpu.memory_space<vmem_shared>> -> memref<10240x16xf32, #tpu.memory_space<vmem_shared>>
    tpu.enqueue_indirect_dma source(%dma_start3A_41 : memref<10240x16xf32, #tpu.memory_space<vmem_shared>>) target(%arg12 : memref<128x16xf32, #tpu.memory_space<vmem>>) offsets(%dma_start3A_38 : memref<128xi32, #tpu.memory_space<vmem>>) semaphore(%arg19 : memref<!tpu.dma_semaphore, #tpu.memory_space<semaphore_mem>>)
    %scan3A = arith.constant 0 : i32
    %scan3A_42 = arith.constant 20 : i32
    %scan3A_43 = arith.addi %scan3A, %scan3A_42 : i32
    %scan3A_44 = arith.constant 1 : i32
    scf.for %scan3A_83 = %scan3A to %scan3A_43 step %scan3A_44  : i32 {
      %mul3A_84 = arith.constant 4 : i32
      %mul3A_85 = arith.muli %scan3A_83, %mul3A_84 : i32
      %add3A_86 = arith.constant 0 : i32
      %add3A_87 = arith.addi %add3A_86, %mul3A_85 : i32
      %add3A_88 = arith.constant 0 : i32
      %add3A_89 = arith.addi %add3A_87, %add3A_88 : i32
      %add3A_90 = arith.constant 2 : i32
      %add3A_91 = arith.addi %add3A_89, %add3A_90 : i32
      %sub3A = arith.constant 4 : i32
      %sub3A_92 = arith.subi %add3A_91, %sub3A : i32
      %dma_wait3A_93 = arith.constant 0 : i32
      %dma_wait3A_94 = tpu.memref_slice %arg9[%add3A_89, %dma_wait3A_93] : memref<80x128xi32, #tpu.memory_space<vmem>> -> memref<1x128xi32, #tpu.memory_space<vmem>>
      %dma_wait3A_95 = tpu.memref_squeeze %dma_wait3A_94 : memref<1x128xi32, #tpu.memory_space<vmem>> -> memref<128xi32, #tpu.memory_space<vmem>>
      %dma_wait3A_96 = arith.constant 0 : i32
      %dma_wait3A_97 = arith.constant 0 : i32
      %dma_wait3A_98 = tpu.memref_slice %arg17[%dma_wait3A_96, %dma_wait3A_97] : memref<10240x16xf32, #tpu.memory_space<vmem_shared>> -> memref<10240x16xf32, #tpu.memory_space<vmem_shared>>
      tpu.wait_indirect_dma semaphore(%arg18 : memref<!tpu.dma_semaphore, #tpu.memory_space<semaphore_mem>>) src(%dma_wait3A_98 : memref<10240x16xf32, #tpu.memory_space<vmem_shared>>) dst(%arg11 : memref<128x16xf32, #tpu.memory_space<vmem>>)
      %ge3A = arith.constant 0 : i32
      %ge3A_99 = arith.cmpi sge, %sub3A_92, %ge3A : i32
      %convert_element_type3A = arith.extui %ge3A_99 : i1 to i32
      %cond3A = arith.constant 0 : i32
      %cond3A_100 = arith.cmpi ne, %convert_element_type3A, %cond3A : i32
      scf.if %cond3A_100 {
        %dma_wait3A_227 = arith.constant 0 : i32
        %dma_wait3A_228 = tpu.memref_slice %arg10[%sub3A_92, %dma_wait3A_227] : memref<80x128xi32, #tpu.memory_space<vmem>> -> memref<1x128xi32, #tpu.memory_space<vmem>>
        %dma_wait3A_229 = tpu.memref_squeeze %dma_wait3A_228 : memref<1x128xi32, #tpu.memory_space<vmem>> -> memref<128xi32, #tpu.memory_space<vmem>>
        %dma_wait3A_230 = arith.constant 0 : i32
        %dma_wait3A_231 = arith.constant 0 : i32
        %dma_wait3A_232 = tpu.memref_slice %arg16[%dma_wait3A_230, %dma_wait3A_231] : memref<10240x16xf32, #tpu.memory_space<vmem_shared>> -> memref<10240x16xf32, #tpu.memory_space<vmem_shared>>
        tpu.wait_indirect_dma semaphore(%arg24 : memref<!tpu.dma_semaphore, #tpu.memory_space<semaphore_mem>>) src(%arg13 : memref<128x16xf32, #tpu.memory_space<vmem>>) dst(%dma_wait3A_232 : memref<10240x16xf32, #tpu.memory_space<vmem_shared>>)
        %dma_wait3A_233 = arith.constant 0 : i32
        %dma_wait3A_234 = tpu.memref_slice %arg10[%sub3A_92, %dma_wait3A_233] : memref<80x128xi32, #tpu.memory_space<vmem>> -> memref<1x128xi32, #tpu.memory_space<vmem>>
        %dma_wait3A_235 = tpu.memref_squeeze %dma_wait3A_234 : memref<1x128xi32, #tpu.memory_space<vmem>> -> memref<128xi32, #tpu.memory_space<vmem>>
        %dma_wait3A_236 = arith.constant 0 : i32
        %dma_wait3A_237 = arith.constant 0 : i32
        %dma_wait3A_238 = tpu.memref_slice %arg27[%dma_wait3A_236, %dma_wait3A_237] : memref<10240x16xf32, #tpu.memory_space<vmem_shared>> -> memref<10240x16xf32, #tpu.memory_space<vmem_shared>>
        tpu.wait_indirect_dma semaphore(%arg24 : memref<!tpu.dma_semaphore, #tpu.memory_space<semaphore_mem>>) src(%arg26 : memref<128x16xf32, #tpu.memory_space<vmem>>) dst(%dma_wait3A_238 : memref<10240x16xf32, #tpu.memory_space<vmem_shared>>)
      } else {
      }
      %add3A_101 = arith.constant 2 : i32
      %add3A_102 = arith.addi %add3A_89, %add3A_101 : i32
      %lt3A = arith.constant 80 : i32
      %lt3A_103 = arith.cmpi slt, %add3A_102, %lt3A : i32
      %convert_element_type3A_104 = arith.extui %lt3A_103 : i1 to i32
      %cond3A_105 = arith.constant 0 : i32
      %cond3A_106 = arith.cmpi ne, %convert_element_type3A_104, %cond3A_105 : i32
      scf.if %cond3A_106 {
        %add3A_227 = arith.constant 2 : i32
        %add3A_228 = arith.addi %add3A_89, %add3A_227 : i32
        %dma_start3A_229 = arith.constant 0 : i32
        %dma_start3A_230 = tpu.memref_slice %arg9[%add3A_228, %dma_start3A_229] : memref<80x128xi32, #tpu.memory_space<vmem>> -> memref<1x128xi32, #tpu.memory_space<vmem>>
        %dma_start3A_231 = tpu.memref_squeeze %dma_start3A_230 : memref<1x128xi32, #tpu.memory_space<vmem>> -> memref<128xi32, #tpu.memory_space<vmem>>
        %dma_start3A_232 = arith.constant 0 : i32
        %dma_start3A_233 = arith.constant 0 : i32
        %dma_start3A_234 = tpu.memref_slice %arg17[%dma_start3A_232, %dma_start3A_233] : memref<10240x16xf32, #tpu.memory_space<vmem_shared>> -> memref<10240x16xf32, #tpu.memory_space<vmem_shared>>
        tpu.enqueue_indirect_dma source(%dma_start3A_234 : memref<10240x16xf32, #tpu.memory_space<vmem_shared>>) target(%arg13 : memref<128x16xf32, #tpu.memory_space<vmem>>) offsets(%dma_start3A_231 : memref<128xi32, #tpu.memory_space<vmem>>) semaphore(%arg20 : memref<!tpu.dma_semaphore, #tpu.memory_space<semaphore_mem>>)
      } else {
      }
      %dma_start3A_107 = arith.constant 0 : i32
      %dma_start3A_108 = tpu.memref_slice %arg10[%add3A_89, %dma_start3A_107] : memref<80x128xi32, #tpu.memory_space<vmem>> -> memref<1x128xi32, #tpu.memory_space<vmem>>
      %dma_start3A_109 = tpu.memref_squeeze %dma_start3A_108 : memref<1x128xi32, #tpu.memory_space<vmem>> -> memref<128xi32, #tpu.memory_space<vmem>>
      %dma_start3A_110 = arith.constant 0 : i32
      %dma_start3A_111 = arith.constant 0 : i32
      %dma_start3A_112 = tpu.memref_slice %arg16[%dma_start3A_110, %dma_start3A_111] : memref<10240x16xf32, #tpu.memory_space<vmem_shared>> -> memref<10240x16xf32, #tpu.memory_space<vmem_shared>>
      tpu.enqueue_indirect_dma source(%arg11 : memref<128x16xf32, #tpu.memory_space<vmem>>) target(%dma_start3A_112 : memref<10240x16xf32, #tpu.memory_space<vmem_shared>>) offsets(%dma_start3A_109 : memref<128xi32, #tpu.memory_space<vmem>>) semaphore(%arg22 : memref<!tpu.dma_semaphore, #tpu.memory_space<semaphore_mem>>) {add = true}
      %dma_start3A_113 = arith.constant 0 : i32
      %dma_start3A_114 = tpu.memref_slice %arg10[%add3A_89, %dma_start3A_113] : memref<80x128xi32, #tpu.memory_space<vmem>> -> memref<1x128xi32, #tpu.memory_space<vmem>>
      %dma_start3A_115 = tpu.memref_squeeze %dma_start3A_114 : memref<1x128xi32, #tpu.memory_space<vmem>> -> memref<128xi32, #tpu.memory_space<vmem>>
      %dma_start3A_116 = arith.constant 0 : i32
      %dma_start3A_117 = arith.constant 0 : i32
      %dma_start3A_118 = tpu.memref_slice %arg27[%dma_start3A_116, %dma_start3A_117] : memref<10240x16xf32, #tpu.memory_space<vmem_shared>> -> memref<10240x16xf32, #tpu.memory_space<vmem_shared>>
      tpu.enqueue_indirect_dma source(%arg26 : memref<128x16xf32, #tpu.memory_space<vmem>>) target(%dma_start3A_118 : memref<10240x16xf32, #tpu.memory_space<vmem_shared>>) offsets(%dma_start3A_115 : memref<128xi32, #tpu.memory_space<vmem>>) semaphore(%arg22 : memref<!tpu.dma_semaphore, #tpu.memory_space<semaphore_mem>>) {add = true}
      %add3A_119 = arith.constant 1 : i32
      %add3A_120 = arith.addi %add3A_87, %add3A_119 : i32
      %add3A_121 = arith.constant 2 : i32
      %add3A_122 = arith.addi %add3A_120, %add3A_121 : i32
      %sub3A_123 = arith.constant 4 : i32
      %sub3A_124 = arith.subi %add3A_122, %sub3A_123 : i32
      %dma_wait3A_125 = arith.constant 0 : i32
      %dma_wait3A_126 = tpu.memref_slice %arg9[%add3A_120, %dma_wait3A_125] : memref<80x128xi32, #tpu.memory_space<vmem>> -> memref<1x128xi32, #tpu.memory_space<vmem>>
      %dma_wait3A_127 = tpu.memref_squeeze %dma_wait3A_126 : memref<1x128xi32, #tpu.memory_space<vmem>> -> memref<128xi32, #tpu.memory_space<vmem>>
      %dma_wait3A_128 = arith.constant 0 : i32
      %dma_wait3A_129 = arith.constant 0 : i32
      %dma_wait3A_130 = tpu.memref_slice %arg17[%dma_wait3A_128, %dma_wait3A_129] : memref<10240x16xf32, #tpu.memory_space<vmem_shared>> -> memref<10240x16xf32, #tpu.memory_space<vmem_shared>>
      tpu.wait_indirect_dma semaphore(%arg19 : memref<!tpu.dma_semaphore, #tpu.memory_space<semaphore_mem>>) src(%dma_wait3A_130 : memref<10240x16xf32, #tpu.memory_space<vmem_shared>>) dst(%arg12 : memref<128x16xf32, #tpu.memory_space<vmem>>)
      %ge3A_131 = arith.constant 0 : i32
      %ge3A_132 = arith.cmpi sge, %sub3A_124, %ge3A_131 : i32
      %convert_element_type3A_133 = arith.extui %ge3A_132 : i1 to i32
      %cond3A_134 = arith.constant 0 : i32
      %cond3A_135 = arith.cmpi ne, %convert_element_type3A_133, %cond3A_134 : i32
      scf.if %cond3A_135 {
        %dma_wait3A_227 = arith.constant 0 : i32
        %dma_wait3A_228 = tpu.memref_slice %arg10[%sub3A_124, %dma_wait3A_227] : memref<80x128xi32, #tpu.memory_space<vmem>> -> memref<1x128xi32, #tpu.memory_space<vmem>>
        %dma_wait3A_229 = tpu.memref_squeeze %dma_wait3A_228 : memref<1x128xi32, #tpu.memory_space<vmem>> -> memref<128xi32, #tpu.memory_space<vmem>>
        %dma_wait3A_230 = arith.constant 0 : i32
        %dma_wait3A_231 = arith.constant 0 : i32
        %dma_wait3A_232 = tpu.memref_slice %arg16[%dma_wait3A_230, %dma_wait3A_231] : memref<10240x16xf32, #tpu.memory_space<vmem_shared>> -> memref<10240x16xf32, #tpu.memory_space<vmem_shared>>
        tpu.wait_indirect_dma semaphore(%arg25 : memref<!tpu.dma_semaphore, #tpu.memory_space<semaphore_mem>>) src(%arg14 : memref<128x16xf32, #tpu.memory_space<vmem>>) dst(%dma_wait3A_232 : memref<10240x16xf32, #tpu.memory_space<vmem_shared>>)
        %dma_wait3A_233 = arith.constant 0 : i32
        %dma_wait3A_234 = tpu.memref_slice %arg10[%sub3A_124, %dma_wait3A_233] : memref<80x128xi32, #tpu.memory_space<vmem>> -> memref<1x128xi32, #tpu.memory_space<vmem>>
        %dma_wait3A_235 = tpu.memref_squeeze %dma_wait3A_234 : memref<1x128xi32, #tpu.memory_space<vmem>> -> memref<128xi32, #tpu.memory_space<vmem>>
        %dma_wait3A_236 = arith.constant 0 : i32
        %dma_wait3A_237 = arith.constant 0 : i32
        %dma_wait3A_238 = tpu.memref_slice %arg27[%dma_wait3A_236, %dma_wait3A_237] : memref<10240x16xf32, #tpu.memory_space<vmem_shared>> -> memref<10240x16xf32, #tpu.memory_space<vmem_shared>>
        tpu.wait_indirect_dma semaphore(%arg25 : memref<!tpu.dma_semaphore, #tpu.memory_space<semaphore_mem>>) src(%arg26 : memref<128x16xf32, #tpu.memory_space<vmem>>) dst(%dma_wait3A_238 : memref<10240x16xf32, #tpu.memory_space<vmem_shared>>)
      } else {
      }
      %add3A_136 = arith.constant 2 : i32
      %add3A_137 = arith.addi %add3A_120, %add3A_136 : i32
      %lt3A_138 = arith.constant 80 : i32
      %lt3A_139 = arith.cmpi slt, %add3A_137, %lt3A_138 : i32
      %convert_element_type3A_140 = arith.extui %lt3A_139 : i1 to i32
      %cond3A_141 = arith.constant 0 : i32
      %cond3A_142 = arith.cmpi ne, %convert_element_type3A_140, %cond3A_141 : i32
      scf.if %cond3A_142 {
        %add3A_227 = arith.constant 2 : i32
        %add3A_228 = arith.addi %add3A_120, %add3A_227 : i32
        %dma_start3A_229 = arith.constant 0 : i32
        %dma_start3A_230 = tpu.memref_slice %arg9[%add3A_228, %dma_start3A_229] : memref<80x128xi32, #tpu.memory_space<vmem>> -> memref<1x128xi32, #tpu.memory_space<vmem>>
        %dma_start3A_231 = tpu.memref_squeeze %dma_start3A_230 : memref<1x128xi32, #tpu.memory_space<vmem>> -> memref<128xi32, #tpu.memory_space<vmem>>
        %dma_start3A_232 = arith.constant 0 : i32
        %dma_start3A_233 = arith.constant 0 : i32
        %dma_start3A_234 = tpu.memref_slice %arg17[%dma_start3A_232, %dma_start3A_233] : memref<10240x16xf32, #tpu.memory_space<vmem_shared>> -> memref<10240x16xf32, #tpu.memory_space<vmem_shared>>
        tpu.enqueue_indirect_dma source(%dma_start3A_234 : memref<10240x16xf32, #tpu.memory_space<vmem_shared>>) target(%arg14 : memref<128x16xf32, #tpu.memory_space<vmem>>) offsets(%dma_start3A_231 : memref<128xi32, #tpu.memory_space<vmem>>) semaphore(%arg21 : memref<!tpu.dma_semaphore, #tpu.memory_space<semaphore_mem>>)
      } else {
      }
      %dma_start3A_143 = arith.constant 0 : i32
      %dma_start3A_144 = tpu.memref_slice %arg10[%add3A_120, %dma_start3A_143] : memref<80x128xi32, #tpu.memory_space<vmem>> -> memref<1x128xi32, #tpu.memory_space<vmem>>
      %dma_start3A_145 = tpu.memref_squeeze %dma_start3A_144 : memref<1x128xi32, #tpu.memory_space<vmem>> -> memref<128xi32, #tpu.memory_space<vmem>>
      %dma_start3A_146 = arith.constant 0 : i32
      %dma_start3A_147 = arith.constant 0 : i32
      %dma_start3A_148 = tpu.memref_slice %arg16[%dma_start3A_146, %dma_start3A_147] : memref<10240x16xf32, #tpu.memory_space<vmem_shared>> -> memref<10240x16xf32, #tpu.memory_space<vmem_shared>>
      tpu.enqueue_indirect_dma source(%arg12 : memref<128x16xf32, #tpu.memory_space<vmem>>) target(%dma_start3A_148 : memref<10240x16xf32, #tpu.memory_space<vmem_shared>>) offsets(%dma_start3A_145 : memref<128xi32, #tpu.memory_space<vmem>>) semaphore(%arg23 : memref<!tpu.dma_semaphore, #tpu.memory_space<semaphore_mem>>) {add = true}
      %dma_start3A_149 = arith.constant 0 : i32
      %dma_start3A_150 = tpu.memref_slice %arg10[%add3A_120, %dma_start3A_149] : memref<80x128xi32, #tpu.memory_space<vmem>> -> memref<1x128xi32, #tpu.memory_space<vmem>>
      %dma_start3A_151 = tpu.memref_squeeze %dma_start3A_150 : memref<1x128xi32, #tpu.memory_space<vmem>> -> memref<128xi32, #tpu.memory_space<vmem>>
      %dma_start3A_152 = arith.constant 0 : i32
      %dma_start3A_153 = arith.constant 0 : i32
      %dma_start3A_154 = tpu.memref_slice %arg27[%dma_start3A_152, %dma_start3A_153] : memref<10240x16xf32, #tpu.memory_space<vmem_shared>> -> memref<10240x16xf32, #tpu.memory_space<vmem_shared>>
      tpu.enqueue_indirect_dma source(%arg26 : memref<128x16xf32, #tpu.memory_space<vmem>>) target(%dma_start3A_154 : memref<10240x16xf32, #tpu.memory_space<vmem_shared>>) offsets(%dma_start3A_151 : memref<128xi32, #tpu.memory_space<vmem>>) semaphore(%arg23 : memref<!tpu.dma_semaphore, #tpu.memory_space<semaphore_mem>>) {add = true}
      %add3A_155 = arith.constant 2 : i32
      %add3A_156 = arith.addi %add3A_87, %add3A_155 : i32
      %add3A_157 = arith.constant 2 : i32
      %add3A_158 = arith.addi %add3A_156, %add3A_157 : i32
      %sub3A_159 = arith.constant 4 : i32
      %sub3A_160 = arith.subi %add3A_158, %sub3A_159 : i32
      %dma_wait3A_161 = arith.constant 0 : i32
      %dma_wait3A_162 = tpu.memref_slice %arg9[%add3A_156, %dma_wait3A_161] : memref<80x128xi32, #tpu.memory_space<vmem>> -> memref<1x128xi32, #tpu.memory_space<vmem>>
      %dma_wait3A_163 = tpu.memref_squeeze %dma_wait3A_162 : memref<1x128xi32, #tpu.memory_space<vmem>> -> memref<128xi32, #tpu.memory_space<vmem>>
      %dma_wait3A_164 = arith.constant 0 : i32
      %dma_wait3A_165 = arith.constant 0 : i32
      %dma_wait3A_166 = tpu.memref_slice %arg17[%dma_wait3A_164, %dma_wait3A_165] : memref<10240x16xf32, #tpu.memory_space<vmem_shared>> -> memref<10240x16xf32, #tpu.memory_space<vmem_shared>>
      tpu.wait_indirect_dma semaphore(%arg20 : memref<!tpu.dma_semaphore, #tpu.memory_space<semaphore_mem>>) src(%dma_wait3A_166 : memref<10240x16xf32, #tpu.memory_space<vmem_shared>>) dst(%arg13 : memref<128x16xf32, #tpu.memory_space<vmem>>)
      %ge3A_167 = arith.constant 0 : i32
      %ge3A_168 = arith.cmpi sge, %sub3A_160, %ge3A_167 : i32
      %convert_element_type3A_169 = arith.extui %ge3A_168 : i1 to i32
      %cond3A_170 = arith.constant 0 : i32
      %cond3A_171 = arith.cmpi ne, %convert_element_type3A_169, %cond3A_170 : i32
      scf.if %cond3A_171 {
        %dma_wait3A_227 = arith.constant 0 : i32
        %dma_wait3A_228 = tpu.memref_slice %arg10[%sub3A_160, %dma_wait3A_227] : memref<80x128xi32, #tpu.memory_space<vmem>> -> memref<1x128xi32, #tpu.memory_space<vmem>>
        %dma_wait3A_229 = tpu.memref_squeeze %dma_wait3A_228 : memref<1x128xi32, #tpu.memory_space<vmem>> -> memref<128xi32, #tpu.memory_space<vmem>>
        %dma_wait3A_230 = arith.constant 0 : i32
        %dma_wait3A_231 = arith.constant 0 : i32
        %dma_wait3A_232 = tpu.memref_slice %arg16[%dma_wait3A_230, %dma_wait3A_231] : memref<10240x16xf32, #tpu.memory_space<vmem_shared>> -> memref<10240x16xf32, #tpu.memory_space<vmem_shared>>
        tpu.wait_indirect_dma semaphore(%arg22 : memref<!tpu.dma_semaphore, #tpu.memory_space<semaphore_mem>>) src(%arg11 : memref<128x16xf32, #tpu.memory_space<vmem>>) dst(%dma_wait3A_232 : memref<10240x16xf32, #tpu.memory_space<vmem_shared>>)
        %dma_wait3A_233 = arith.constant 0 : i32
        %dma_wait3A_234 = tpu.memref_slice %arg10[%sub3A_160, %dma_wait3A_233] : memref<80x128xi32, #tpu.memory_space<vmem>> -> memref<1x128xi32, #tpu.memory_space<vmem>>
        %dma_wait3A_235 = tpu.memref_squeeze %dma_wait3A_234 : memref<1x128xi32, #tpu.memory_space<vmem>> -> memref<128xi32, #tpu.memory_space<vmem>>
        %dma_wait3A_236 = arith.constant 0 : i32
        %dma_wait3A_237 = arith.constant 0 : i32
        %dma_wait3A_238 = tpu.memref_slice %arg27[%dma_wait3A_236, %dma_wait3A_237] : memref<10240x16xf32, #tpu.memory_space<vmem_shared>> -> memref<10240x16xf32, #tpu.memory_space<vmem_shared>>
        tpu.wait_indirect_dma semaphore(%arg22 : memref<!tpu.dma_semaphore, #tpu.memory_space<semaphore_mem>>) src(%arg26 : memref<128x16xf32, #tpu.memory_space<vmem>>) dst(%dma_wait3A_238 : memref<10240x16xf32, #tpu.memory_space<vmem_shared>>)
      } else {
      }
      %add3A_172 = arith.constant 2 : i32
      %add3A_173 = arith.addi %add3A_156, %add3A_172 : i32
      %lt3A_174 = arith.constant 80 : i32
      %lt3A_175 = arith.cmpi slt, %add3A_173, %lt3A_174 : i32
      %convert_element_type3A_176 = arith.extui %lt3A_175 : i1 to i32
      %cond3A_177 = arith.constant 0 : i32
      %cond3A_178 = arith.cmpi ne, %convert_element_type3A_176, %cond3A_177 : i32
      scf.if %cond3A_178 {
        %add3A_227 = arith.constant 2 : i32
        %add3A_228 = arith.addi %add3A_156, %add3A_227 : i32
        %dma_start3A_229 = arith.constant 0 : i32
        %dma_start3A_230 = tpu.memref_slice %arg9[%add3A_228, %dma_start3A_229] : memref<80x128xi32, #tpu.memory_space<vmem>> -> memref<1x128xi32, #tpu.memory_space<vmem>>
        %dma_start3A_231 = tpu.memref_squeeze %dma_start3A_230 : memref<1x128xi32, #tpu.memory_space<vmem>> -> memref<128xi32, #tpu.memory_space<vmem>>
        %dma_start3A_232 = arith.constant 0 : i32
        %dma_start3A_233 = arith.constant 0 : i32
        %dma_start3A_234 = tpu.memref_slice %arg17[%dma_start3A_232, %dma_start3A_233] : memref<10240x16xf32, #tpu.memory_space<vmem_shared>> -> memref<10240x16xf32, #tpu.memory_space<vmem_shared>>
        tpu.enqueue_indirect_dma source(%dma_start3A_234 : memref<10240x16xf32, #tpu.memory_space<vmem_shared>>) target(%arg11 : memref<128x16xf32, #tpu.memory_space<vmem>>) offsets(%dma_start3A_231 : memref<128xi32, #tpu.memory_space<vmem>>) semaphore(%arg18 : memref<!tpu.dma_semaphore, #tpu.memory_space<semaphore_mem>>)
      } else {
      }
      %dma_start3A_179 = arith.constant 0 : i32
      %dma_start3A_180 = tpu.memref_slice %arg10[%add3A_156, %dma_start3A_179] : memref<80x128xi32, #tpu.memory_space<vmem>> -> memref<1x128xi32, #tpu.memory_space<vmem>>
      %dma_start3A_181 = tpu.memref_squeeze %dma_start3A_180 : memref<1x128xi32, #tpu.memory_space<vmem>> -> memref<128xi32, #tpu.memory_space<vmem>>
      %dma_start3A_182 = arith.constant 0 : i32
      %dma_start3A_183 = arith.constant 0 : i32
      %dma_start3A_184 = tpu.memref_slice %arg16[%dma_start3A_182, %dma_start3A_183] : memref<10240x16xf32, #tpu.memory_space<vmem_shared>> -> memref<10240x16xf32, #tpu.memory_space<vmem_shared>>
      tpu.enqueue_indirect_dma source(%arg13 : memref<128x16xf32, #tpu.memory_space<vmem>>) target(%dma_start3A_184 : memref<10240x16xf32, #tpu.memory_space<vmem_shared>>) offsets(%dma_start3A_181 : memref<128xi32, #tpu.memory_space<vmem>>) semaphore(%arg24 : memref<!tpu.dma_semaphore, #tpu.memory_space<semaphore_mem>>) {add = true}
      %dma_start3A_185 = arith.constant 0 : i32
      %dma_start3A_186 = tpu.memref_slice %arg10[%add3A_156, %dma_start3A_185] : memref<80x128xi32, #tpu.memory_space<vmem>> -> memref<1x128xi32, #tpu.memory_space<vmem>>
      %dma_start3A_187 = tpu.memref_squeeze %dma_start3A_186 : memref<1x128xi32, #tpu.memory_space<vmem>> -> memref<128xi32, #tpu.memory_space<vmem>>
      %dma_start3A_188 = arith.constant 0 : i32
      %dma_start3A_189 = arith.constant 0 : i32
      %dma_start3A_190 = tpu.memref_slice %arg27[%dma_start3A_188, %dma_start3A_189] : memref<10240x16xf32, #tpu.memory_space<vmem_shared>> -> memref<10240x16xf32, #tpu.memory_space<vmem_shared>>
      tpu.enqueue_indirect_dma source(%arg26 : memref<128x16xf32, #tpu.memory_space<vmem>>) target(%dma_start3A_190 : memref<10240x16xf32, #tpu.memory_space<vmem_shared>>) offsets(%dma_start3A_187 : memref<128xi32, #tpu.memory_space<vmem>>) semaphore(%arg24 : memref<!tpu.dma_semaphore, #tpu.memory_space<semaphore_mem>>) {add = true}
      %add3A_191 = arith.constant 3 : i32
      %add3A_192 = arith.addi %add3A_87, %add3A_191 : i32
      %add3A_193 = arith.constant 2 : i32
      %add3A_194 = arith.addi %add3A_192, %add3A_193 : i32
      %sub3A_195 = arith.constant 4 : i32
      %sub3A_196 = arith.subi %add3A_194, %sub3A_195 : i32
      %dma_wait3A_197 = arith.constant 0 : i32
      %dma_wait3A_198 = tpu.memref_slice %arg9[%add3A_192, %dma_wait3A_197] : memref<80x128xi32, #tpu.memory_space<vmem>> -> memref<1x128xi32, #tpu.memory_space<vmem>>
      %dma_wait3A_199 = tpu.memref_squeeze %dma_wait3A_198 : memref<1x128xi32, #tpu.memory_space<vmem>> -> memref<128xi32, #tpu.memory_space<vmem>>
      %dma_wait3A_200 = arith.constant 0 : i32
      %dma_wait3A_201 = arith.constant 0 : i32
      %dma_wait3A_202 = tpu.memref_slice %arg17[%dma_wait3A_200, %dma_wait3A_201] : memref<10240x16xf32, #tpu.memory_space<vmem_shared>> -> memref<10240x16xf32, #tpu.memory_space<vmem_shared>>
      tpu.wait_indirect_dma semaphore(%arg21 : memref<!tpu.dma_semaphore, #tpu.memory_space<semaphore_mem>>) src(%dma_wait3A_202 : memref<10240x16xf32, #tpu.memory_space<vmem_shared>>) dst(%arg14 : memref<128x16xf32, #tpu.memory_space<vmem>>)
      %ge3A_203 = arith.constant 0 : i32
      %ge3A_204 = arith.cmpi sge, %sub3A_196, %ge3A_203 : i32
      %convert_element_type3A_205 = arith.extui %ge3A_204 : i1 to i32
      %cond3A_206 = arith.constant 0 : i32
      %cond3A_207 = arith.cmpi ne, %convert_element_type3A_205, %cond3A_206 : i32
      scf.if %cond3A_207 {
        %dma_wait3A_227 = arith.constant 0 : i32
        %dma_wait3A_228 = tpu.memref_slice %arg10[%sub3A_196, %dma_wait3A_227] : memref<80x128xi32, #tpu.memory_space<vmem>> -> memref<1x128xi32, #tpu.memory_space<vmem>>
        %dma_wait3A_229 = tpu.memref_squeeze %dma_wait3A_228 : memref<1x128xi32, #tpu.memory_space<vmem>> -> memref<128xi32, #tpu.memory_space<vmem>>
        %dma_wait3A_230 = arith.constant 0 : i32
        %dma_wait3A_231 = arith.constant 0 : i32
        %dma_wait3A_232 = tpu.memref_slice %arg16[%dma_wait3A_230, %dma_wait3A_231] : memref<10240x16xf32, #tpu.memory_space<vmem_shared>> -> memref<10240x16xf32, #tpu.memory_space<vmem_shared>>
        tpu.wait_indirect_dma semaphore(%arg23 : memref<!tpu.dma_semaphore, #tpu.memory_space<semaphore_mem>>) src(%arg12 : memref<128x16xf32, #tpu.memory_space<vmem>>) dst(%dma_wait3A_232 : memref<10240x16xf32, #tpu.memory_space<vmem_shared>>)
        %dma_wait3A_233 = arith.constant 0 : i32
        %dma_wait3A_234 = tpu.memref_slice %arg10[%sub3A_196, %dma_wait3A_233] : memref<80x128xi32, #tpu.memory_space<vmem>> -> memref<1x128xi32, #tpu.memory_space<vmem>>
        %dma_wait3A_235 = tpu.memref_squeeze %dma_wait3A_234 : memref<1x128xi32, #tpu.memory_space<vmem>> -> memref<128xi32, #tpu.memory_space<vmem>>
        %dma_wait3A_236 = arith.constant 0 : i32
        %dma_wait3A_237 = arith.constant 0 : i32
        %dma_wait3A_238 = tpu.memref_slice %arg27[%dma_wait3A_236, %dma_wait3A_237] : memref<10240x16xf32, #tpu.memory_space<vmem_shared>> -> memref<10240x16xf32, #tpu.memory_space<vmem_shared>>
        tpu.wait_indirect_dma semaphore(%arg23 : memref<!tpu.dma_semaphore, #tpu.memory_space<semaphore_mem>>) src(%arg26 : memref<128x16xf32, #tpu.memory_space<vmem>>) dst(%dma_wait3A_238 : memref<10240x16xf32, #tpu.memory_space<vmem_shared>>)
      } else {
      }
      %add3A_208 = arith.constant 2 : i32
      %add3A_209 = arith.addi %add3A_192, %add3A_208 : i32
      %lt3A_210 = arith.constant 80 : i32
      %lt3A_211 = arith.cmpi slt, %add3A_209, %lt3A_210 : i32
      %convert_element_type3A_212 = arith.extui %lt3A_211 : i1 to i32
      %cond3A_213 = arith.constant 0 : i32
      %cond3A_214 = arith.cmpi ne, %convert_element_type3A_212, %cond3A_213 : i32
      scf.if %cond3A_214 {
        %add3A_227 = arith.constant 2 : i32
        %add3A_228 = arith.addi %add3A_192, %add3A_227 : i32
        %dma_start3A_229 = arith.constant 0 : i32
        %dma_start3A_230 = tpu.memref_slice %arg9[%add3A_228, %dma_start3A_229] : memref<80x128xi32, #tpu.memory_space<vmem>> -> memref<1x128xi32, #tpu.memory_space<vmem>>
        %dma_start3A_231 = tpu.memref_squeeze %dma_start3A_230 : memref<1x128xi32, #tpu.memory_space<vmem>> -> memref<128xi32, #tpu.memory_space<vmem>>
        %dma_start3A_232 = arith.constant 0 : i32
        %dma_start3A_233 = arith.constant 0 : i32
        %dma_start3A_234 = tpu.memref_slice %arg17[%dma_start3A_232, %dma_start3A_233] : memref<10240x16xf32, #tpu.memory_space<vmem_shared>> -> memref<10240x16xf32, #tpu.memory_space<vmem_shared>>
        tpu.enqueue_indirect_dma source(%dma_start3A_234 : memref<10240x16xf32, #tpu.memory_space<vmem_shared>>) target(%arg12 : memref<128x16xf32, #tpu.memory_space<vmem>>) offsets(%dma_start3A_231 : memref<128xi32, #tpu.memory_space<vmem>>) semaphore(%arg19 : memref<!tpu.dma_semaphore, #tpu.memory_space<semaphore_mem>>)
      } else {
      }
      %dma_start3A_215 = arith.constant 0 : i32
      %dma_start3A_216 = tpu.memref_slice %arg10[%add3A_192, %dma_start3A_215] : memref<80x128xi32, #tpu.memory_space<vmem>> -> memref<1x128xi32, #tpu.memory_space<vmem>>
      %dma_start3A_217 = tpu.memref_squeeze %dma_start3A_216 : memref<1x128xi32, #tpu.memory_space<vmem>> -> memref<128xi32, #tpu.memory_space<vmem>>
      %dma_start3A_218 = arith.constant 0 : i32
      %dma_start3A_219 = arith.constant 0 : i32
      %dma_start3A_220 = tpu.memref_slice %arg16[%dma_start3A_218, %dma_start3A_219] : memref<10240x16xf32, #tpu.memory_space<vmem_shared>> -> memref<10240x16xf32, #tpu.memory_space<vmem_shared>>
      tpu.enqueue_indirect_dma source(%arg14 : memref<128x16xf32, #tpu.memory_space<vmem>>) target(%dma_start3A_220 : memref<10240x16xf32, #tpu.memory_space<vmem_shared>>) offsets(%dma_start3A_217 : memref<128xi32, #tpu.memory_space<vmem>>) semaphore(%arg25 : memref<!tpu.dma_semaphore, #tpu.memory_space<semaphore_mem>>) {add = true}
      %dma_start3A_221 = arith.constant 0 : i32
      %dma_start3A_222 = tpu.memref_slice %arg10[%add3A_192, %dma_start3A_221] : memref<80x128xi32, #tpu.memory_space<vmem>> -> memref<1x128xi32, #tpu.memory_space<vmem>>
      %dma_start3A_223 = tpu.memref_squeeze %dma_start3A_222 : memref<1x128xi32, #tpu.memory_space<vmem>> -> memref<128xi32, #tpu.memory_space<vmem>>
      %dma_start3A_224 = arith.constant 0 : i32
      %dma_start3A_225 = arith.constant 0 : i32
      %dma_start3A_226 = tpu.memref_slice %arg27[%dma_start3A_224, %dma_start3A_225] : memref<10240x16xf32, #tpu.memory_space<vmem_shared>> -> memref<10240x16xf32, #tpu.memory_space<vmem_shared>>
      tpu.enqueue_indirect_dma source(%arg26 : memref<128x16xf32, #tpu.memory_space<vmem>>) target(%dma_start3A_226 : memref<10240x16xf32, #tpu.memory_space<vmem_shared>>) offsets(%dma_start3A_223 : memref<128xi32, #tpu.memory_space<vmem>>) semaphore(%arg25 : memref<!tpu.dma_semaphore, #tpu.memory_space<semaphore_mem>>) {add = true}
    }
    %scan3A_45 = arith.constant 20 : i32
    %dma_wait3A = arith.constant 78 : i32
    %dma_wait3A_46 = arith.constant 0 : i32
    %dma_wait3A_47 = tpu.memref_slice %arg10[%dma_wait3A, %dma_wait3A_46] : memref<80x128xi32, #tpu.memory_space<vmem>> -> memref<1x128xi32, #tpu.memory_space<vmem>>
    %dma_wait3A_48 = tpu.memref_squeeze %dma_wait3A_47 : memref<1x128xi32, #tpu.memory_space<vmem>> -> memref<128xi32, #tpu.memory_space<vmem>>
    %dma_wait3A_49 = arith.constant 0 : i32
    %dma_wait3A_50 = arith.constant 0 : i32
    %dma_wait3A_51 = tpu.memref_slice %arg16[%dma_wait3A_49, %dma_wait3A_50] : memref<10240x16xf32, #tpu.memory_space<vmem_shared>> -> memref<10240x16xf32, #tpu.memory_space<vmem_shared>>
    tpu.wait_indirect_dma semaphore(%arg24 : memref<!tpu.dma_semaphore, #tpu.memory_space<semaphore_mem>>) src(%arg13 : memref<128x16xf32, #tpu.memory_space<vmem>>) dst(%dma_wait3A_51 : memref<10240x16xf32, #tpu.memory_space<vmem_shared>>)
    %dma_wait3A_52 = arith.constant 78 : i32
    %dma_wait3A_53 = arith.constant 0 : i32
    %dma_wait3A_54 = tpu.memref_slice %arg10[%dma_wait3A_52, %dma_wait3A_53] : memref<80x128xi32, #tpu.memory_space<vmem>> -> memref<1x128xi32, #tpu.memory_space<vmem>>
    %dma_wait3A_55 = tpu.memref_squeeze %dma_wait3A_54 : memref<1x128xi32, #tpu.memory_space<vmem>> -> memref<128xi32, #tpu.memory_space<vmem>>
    %dma_wait3A_56 = arith.constant 0 : i32
    %dma_wait3A_57 = arith.constant 0 : i32
    %dma_wait3A_58 = tpu.memref_slice %arg27[%dma_wait3A_56, %dma_wait3A_57] : memref<10240x16xf32, #tpu.memory_space<vmem_shared>> -> memref<10240x16xf32, #tpu.memory_space<vmem_shared>>
    tpu.wait_indirect_dma semaphore(%arg24 : memref<!tpu.dma_semaphore, #tpu.memory_space<semaphore_mem>>) src(%arg26 : memref<128x16xf32, #tpu.memory_space<vmem>>) dst(%dma_wait3A_58 : memref<10240x16xf32, #tpu.memory_space<vmem_shared>>)
    %dma_wait3A_59 = arith.constant 79 : i32
    %dma_wait3A_60 = arith.constant 0 : i32
    %dma_wait3A_61 = tpu.memref_slice %arg10[%dma_wait3A_59, %dma_wait3A_60] : memref<80x128xi32, #tpu.memory_space<vmem>> -> memref<1x128xi32, #tpu.memory_space<vmem>>
    %dma_wait3A_62 = tpu.memref_squeeze %dma_wait3A_61 : memref<1x128xi32, #tpu.memory_space<vmem>> -> memref<128xi32, #tpu.memory_space<vmem>>
    %dma_wait3A_63 = arith.constant 0 : i32
    %dma_wait3A_64 = arith.constant 0 : i32
    %dma_wait3A_65 = tpu.memref_slice %arg16[%dma_wait3A_63, %dma_wait3A_64] : memref<10240x16xf32, #tpu.memory_space<vmem_shared>> -> memref<10240x16xf32, #tpu.memory_space<vmem_shared>>
    tpu.wait_indirect_dma semaphore(%arg25 : memref<!tpu.dma_semaphore, #tpu.memory_space<semaphore_mem>>) src(%arg14 : memref<128x16xf32, #tpu.memory_space<vmem>>) dst(%dma_wait3A_65 : memref<10240x16xf32, #tpu.memory_space<vmem_shared>>)
    %dma_wait3A_66 = arith.constant 79 : i32
    %dma_wait3A_67 = arith.constant 0 : i32
    %dma_wait3A_68 = tpu.memref_slice %arg10[%dma_wait3A_66, %dma_wait3A_67] : memref<80x128xi32, #tpu.memory_space<vmem>> -> memref<1x128xi32, #tpu.memory_space<vmem>>
    %dma_wait3A_69 = tpu.memref_squeeze %dma_wait3A_68 : memref<1x128xi32, #tpu.memory_space<vmem>> -> memref<128xi32, #tpu.memory_space<vmem>>
    %dma_wait3A_70 = arith.constant 0 : i32
    %dma_wait3A_71 = arith.constant 0 : i32
    %dma_wait3A_72 = tpu.memref_slice %arg27[%dma_wait3A_70, %dma_wait3A_71] : memref<10240x16xf32, #tpu.memory_space<vmem_shared>> -> memref<10240x16xf32, #tpu.memory_space<vmem_shared>>
    tpu.wait_indirect_dma semaphore(%arg25 : memref<!tpu.dma_semaphore, #tpu.memory_space<semaphore_mem>>) src(%arg26 : memref<128x16xf32, #tpu.memory_space<vmem>>) dst(%dma_wait3A_72 : memref<10240x16xf32, #tpu.memory_space<vmem_shared>>)
    %barrier3A_73 = arith.constant 0 : index
    tpu.barrier barrier_id(%barrier3A_73)
    %mul3A_74 = arith.constant 10240 : i32
    %mul3A_75 = arith.muli %arg0, %mul3A_74 : i32
    %mul3A_76 = arith.constant 640 : i32
    %mul3A_77 = arith.muli %arg1, %mul3A_76 : i32
    %add3A_78 = arith.addi %mul3A_75, %mul3A_77 : i32
    %mul3A_79 = arith.constant 640 : i32
    %mul3A_80 = arith.muli %arg1, %mul3A_79 : i32
    "tpu.region"() ({
      %run_scoped3A = tpu.sem_alloc : memref<!tpu.dma_semaphore, #tpu.memory_space<semaphore_mem>>
      %dma_start3A_83 = arith.constant 0 : i32
      %dma_start3A_84 = tpu.memref_slice %arg7[%add3A_78, %dma_start3A_83] : memref<20480x16xf32, #tpu.memory_space<hbm>> -> memref<640x16xf32, #tpu.memory_space<hbm>>
      %dma_start3A_85 = arith.constant 0 : i32
      %dma_start3A_86 = tpu.memref_slice %arg16[%mul3A_80, %dma_start3A_85] : memref<10240x16xf32, #tpu.memory_space<vmem_shared>> -> memref<640x16xf32, #tpu.memory_space<vmem_shared>>
      tpu.enqueue_dma source(%dma_start3A_86 : memref<640x16xf32, #tpu.memory_space<vmem_shared>>) target(%dma_start3A_84 : memref<640x16xf32, #tpu.memory_space<hbm>>) target_semaphore(%run_scoped3A : memref<!tpu.dma_semaphore, #tpu.memory_space<semaphore_mem>>)
      %dma_wait3A_87 = arith.constant 0 : i32
      %dma_wait3A_88 = tpu.memref_slice %arg7[%add3A_78, %dma_wait3A_87] : memref<20480x16xf32, #tpu.memory_space<hbm>> -> memref<640x16xf32, #tpu.memory_space<hbm>>
      %dma_wait3A_89 = arith.constant 0 : i32
      %dma_wait3A_90 = tpu.memref_slice %arg16[%mul3A_80, %dma_wait3A_89] : memref<10240x16xf32, #tpu.memory_space<vmem_shared>> -> memref<640x16xf32, #tpu.memory_space<vmem_shared>>
      tpu.wait_dma2 semaphore(%run_scoped3A : memref<!tpu.dma_semaphore, #tpu.memory_space<semaphore_mem>>) src(%dma_wait3A_90 : memref<640x16xf32, #tpu.memory_space<vmem_shared>>) dst(%dma_wait3A_88 : memref<640x16xf32, #tpu.memory_space<hbm>>)
      tpu.yield
    }) : () -> ()
    %mul3A_81 = arith.constant 640 : i32
    %mul3A_82 = arith.muli %arg1, %mul3A_81 : i32
    "tpu.region"() ({
      %run_scoped3A = tpu.sem_alloc : memref<!tpu.dma_semaphore, #tpu.memory_space<semaphore_mem>>
      %dma_start3A_83 = arith.constant 0 : i32
      %dma_start3A_84 = tpu.memref_slice %arg8[%add3A_78, %dma_start3A_83] : memref<20480x16xf32, #tpu.memory_space<hbm>> -> memref<640x16xf32, #tpu.memory_space<hbm>>
      %dma_start3A_85 = arith.constant 0 : i32
      %dma_start3A_86 = tpu.memref_slice %arg27[%mul3A_82, %dma_start3A_85] : memref<10240x16xf32, #tpu.memory_space<vmem_shared>> -> memref<640x16xf32, #tpu.memory_space<vmem_shared>>
      tpu.enqueue_dma source(%dma_start3A_86 : memref<640x16xf32, #tpu.memory_space<vmem_shared>>) target(%dma_start3A_84 : memref<640x16xf32, #tpu.memory_space<hbm>>) target_semaphore(%run_scoped3A : memref<!tpu.dma_semaphore, #tpu.memory_space<semaphore_mem>>)
      %dma_wait3A_87 = arith.constant 0 : i32
      %dma_wait3A_88 = tpu.memref_slice %arg8[%add3A_78, %dma_wait3A_87] : memref<20480x16xf32, #tpu.memory_space<hbm>> -> memref<640x16xf32, #tpu.memory_space<hbm>>
      %dma_wait3A_89 = arith.constant 0 : i32
      %dma_wait3A_90 = tpu.memref_slice %arg27[%mul3A_82, %dma_wait3A_89] : memref<10240x16xf32, #tpu.memory_space<vmem_shared>> -> memref<640x16xf32, #tpu.memory_space<vmem_shared>>
      tpu.wait_dma2 semaphore(%run_scoped3A : memref<!tpu.dma_semaphore, #tpu.memory_space<semaphore_mem>>) src(%dma_wait3A_90 : memref<640x16xf32, #tpu.memory_space<vmem_shared>>) dst(%dma_wait3A_88 : memref<640x16xf32, #tpu.memory_space<hbm>>)
      tpu.yield
    }) : () -> ()
    return
  }
}

#map = affine_map<(d0, d1) -> (0, 0)>
module attributes {stable_mosaic.version = 14 : i64} {
  func.func @fn(%arg0: i32, %arg1: i32, %arg2: memref<2560x128xi32, #tpu.memory_space<hbm>>, %arg3: memref<2560x128xi32, #tpu.memory_space<hbm>>, %arg4: memref<10240x16xf32, #tpu.memory_space<hbm>>, %arg5: memref<20480x16xf32, #tpu.memory_space<hbm>>, %arg6: memref<20480x16xf32, #tpu.memory_space<hbm>>, %arg7: memref<128x16xf32, #tpu.memory_space<hbm>>, %arg8: memref<20480x16xf32, #tpu.memory_space<hbm>>, %arg9: memref<10240x16xf32, #tpu.memory_space<hbm>>, %arg10: memref<80x128xi32, #tpu.memory_space<vmem>>, %arg11: memref<80x128xi32, #tpu.memory_space<vmem>>, %arg12: memref<128x16xf32, #tpu.memory_space<vmem>>, %arg13: memref<128x16xf32, #tpu.memory_space<vmem>>, %arg14: memref<128x16xf32, #tpu.memory_space<vmem>>, %arg15: memref<128x16xf32, #tpu.memory_space<vmem>>, %arg16: memref<128x16xf32, #tpu.memory_space<vmem>>, %arg17: memref<640x16xf32, #tpu.memory_space<vmem>>, %arg18: memref<640x16xf32, #tpu.memory_space<vmem>>, %arg19: memref<640x16xf32, #tpu.memory_space<vmem>>, %arg20: memref<640x16xf32, #tpu.memory_space<vmem>>, %arg21: memref<640x16xf32, #tpu.memory_space<vmem>>, %arg22: memref<10240x16xf32, #tpu.memory_space<vmem_shared>>, %arg23: memref<10240x16xf32, #tpu.memory_space<vmem_shared>>, %arg24: memref<!tpu.dma_semaphore, #tpu.memory_space<semaphore_mem>>, %arg25: memref<!tpu.dma_semaphore, #tpu.memory_space<semaphore_mem>>, %arg26: memref<!tpu.dma_semaphore, #tpu.memory_space<semaphore_mem>>, %arg27: memref<!tpu.dma_semaphore, #tpu.memory_space<semaphore_mem>>, %arg28: memref<!tpu.dma_semaphore, #tpu.memory_space<semaphore_mem>>, %arg29: memref<!tpu.dma_semaphore, #tpu.memory_space<semaphore_mem>>, %arg30: memref<!tpu.dma_semaphore, #tpu.memory_space<semaphore_mem>>, %arg31: memref<!tpu.dma_semaphore, #tpu.memory_space<semaphore_mem>>) attributes {dimension_semantics = [#tpu.dimension_semantics<core_parallel>, #tpu.dimension_semantics<subcore_parallel>], iteration_bounds = array<i64: 2, 16>, scalar_prefetch = 0 : i64, scratch_operands = 22 : i64, tpu.core_type = #tpu.core_type<sc_vector_subcore>, window_params = [{transform_indices = #map}, {transform_indices = #map}, {transform_indices = #map}, {transform_indices = #map}, {transform_indices = #map}, {transform_indices = #map}, {transform_indices = #map}, {transform_indices = #map}]} {
    %mul3A = arith.constant 16 : i32
    %mul3A_0 = arith.muli %arg0, %mul3A : i32
    %add3A = arith.addi %mul3A_0, %arg1 : i32
    %mul3A_1 = arith.constant 640 : i32
    %mul3A_2 = arith.muli %arg1, %mul3A_1 : i32
    %mul3A_3 = arith.constant 80 : i32
    %mul3A_4 = arith.muli %add3A, %mul3A_3 : i32
    "tpu.region"() ({
      %run_scoped3A = tpu.sem_alloc : memref<!tpu.dma_semaphore, #tpu.memory_space<semaphore_mem>>
      %dma_start3A_77 = arith.constant 0 : i32
      %dma_start3A_78 = tpu.memref_slice %arg2[%mul3A_4, %dma_start3A_77] : memref<2560x128xi32, #tpu.memory_space<hbm>> -> memref<80x128xi32, #tpu.memory_space<hbm>>
      %dma_start3A_79 = arith.constant 0 : i32
      %dma_start3A_80 = tpu.memref_slice %arg2[%mul3A_4, %dma_start3A_79] : memref<2560x128xi32, #tpu.memory_space<hbm>> -> memref<80x128xi32, #tpu.memory_space<hbm>>
      tpu.enqueue_dma source(%dma_start3A_80 : memref<80x128xi32, #tpu.memory_space<hbm>>) target(%arg10 : memref<80x128xi32, #tpu.memory_space<vmem>>) target_semaphore(%run_scoped3A : memref<!tpu.dma_semaphore, #tpu.memory_space<semaphore_mem>>)
      %dma_wait3A_81 = arith.constant 0 : i32
      %dma_wait3A_82 = tpu.memref_slice %arg2[%mul3A_4, %dma_wait3A_81] : memref<2560x128xi32, #tpu.memory_space<hbm>> -> memref<80x128xi32, #tpu.memory_space<hbm>>
      %dma_wait3A_83 = arith.constant 0 : i32
      %dma_wait3A_84 = tpu.memref_slice %arg2[%mul3A_4, %dma_wait3A_83] : memref<2560x128xi32, #tpu.memory_space<hbm>> -> memref<80x128xi32, #tpu.memory_space<hbm>>
      tpu.wait_dma2 semaphore(%run_scoped3A : memref<!tpu.dma_semaphore, #tpu.memory_space<semaphore_mem>>) src(%dma_wait3A_84 : memref<80x128xi32, #tpu.memory_space<hbm>>) dst(%arg10 : memref<80x128xi32, #tpu.memory_space<vmem>>)
      tpu.yield
    }) : () -> ()
    %mul3A_5 = arith.constant 80 : i32
    %mul3A_6 = arith.muli %add3A, %mul3A_5 : i32
    "tpu.region"() ({
      %run_scoped3A = tpu.sem_alloc : memref<!tpu.dma_semaphore, #tpu.memory_space<semaphore_mem>>
      %dma_start3A_77 = arith.constant 0 : i32
      %dma_start3A_78 = tpu.memref_slice %arg3[%mul3A_6, %dma_start3A_77] : memref<2560x128xi32, #tpu.memory_space<hbm>> -> memref<80x128xi32, #tpu.memory_space<hbm>>
      %dma_start3A_79 = arith.constant 0 : i32
      %dma_start3A_80 = tpu.memref_slice %arg3[%mul3A_6, %dma_start3A_79] : memref<2560x128xi32, #tpu.memory_space<hbm>> -> memref<80x128xi32, #tpu.memory_space<hbm>>
      tpu.enqueue_dma source(%dma_start3A_80 : memref<80x128xi32, #tpu.memory_space<hbm>>) target(%arg11 : memref<80x128xi32, #tpu.memory_space<vmem>>) target_semaphore(%run_scoped3A : memref<!tpu.dma_semaphore, #tpu.memory_space<semaphore_mem>>)
      %dma_wait3A_81 = arith.constant 0 : i32
      %dma_wait3A_82 = tpu.memref_slice %arg3[%mul3A_6, %dma_wait3A_81] : memref<2560x128xi32, #tpu.memory_space<hbm>> -> memref<80x128xi32, #tpu.memory_space<hbm>>
      %dma_wait3A_83 = arith.constant 0 : i32
      %dma_wait3A_84 = tpu.memref_slice %arg3[%mul3A_6, %dma_wait3A_83] : memref<2560x128xi32, #tpu.memory_space<hbm>> -> memref<80x128xi32, #tpu.memory_space<hbm>>
      tpu.wait_dma2 semaphore(%run_scoped3A : memref<!tpu.dma_semaphore, #tpu.memory_space<semaphore_mem>>) src(%dma_wait3A_84 : memref<80x128xi32, #tpu.memory_space<hbm>>) dst(%arg11 : memref<80x128xi32, #tpu.memory_space<vmem>>)
      tpu.yield
    }) : () -> ()
    "tpu.region"() ({
      %run_scoped3A = tpu.sem_alloc : memref<!tpu.dma_semaphore, #tpu.memory_space<semaphore_mem>>
      tpu.enqueue_dma source(%arg7 : memref<128x16xf32, #tpu.memory_space<hbm>>) target(%arg16 : memref<128x16xf32, #tpu.memory_space<vmem>>) target_semaphore(%run_scoped3A : memref<!tpu.dma_semaphore, #tpu.memory_space<semaphore_mem>>)
      tpu.wait_dma2 semaphore(%run_scoped3A : memref<!tpu.dma_semaphore, #tpu.memory_space<semaphore_mem>>) src(%arg7 : memref<128x16xf32, #tpu.memory_space<hbm>>) dst(%arg16 : memref<128x16xf32, #tpu.memory_space<vmem>>)
      tpu.yield
    }) : () -> ()
    "tpu.region"() ({
      %run_scoped3A = tpu.sem_alloc : memref<!tpu.dma_semaphore, #tpu.memory_space<semaphore_mem>>
      %dma_start3A_77 = arith.constant 0 : i32
      %dma_start3A_78 = tpu.memref_slice %arg4[%mul3A_2, %dma_start3A_77] : memref<10240x16xf32, #tpu.memory_space<hbm>> -> memref<640x16xf32, #tpu.memory_space<hbm>>
      %dma_start3A_79 = arith.constant 0 : i32
      %dma_start3A_80 = tpu.memref_slice %arg4[%mul3A_2, %dma_start3A_79] : memref<10240x16xf32, #tpu.memory_space<hbm>> -> memref<640x16xf32, #tpu.memory_space<hbm>>
      tpu.enqueue_dma source(%dma_start3A_80 : memref<640x16xf32, #tpu.memory_space<hbm>>) target(%arg17 : memref<640x16xf32, #tpu.memory_space<vmem>>) target_semaphore(%run_scoped3A : memref<!tpu.dma_semaphore, #tpu.memory_space<semaphore_mem>>)
      %dma_wait3A_81 = arith.constant 0 : i32
      %dma_wait3A_82 = tpu.memref_slice %arg4[%mul3A_2, %dma_wait3A_81] : memref<10240x16xf32, #tpu.memory_space<hbm>> -> memref<640x16xf32, #tpu.memory_space<hbm>>
      %dma_wait3A_83 = arith.constant 0 : i32
      %dma_wait3A_84 = tpu.memref_slice %arg4[%mul3A_2, %dma_wait3A_83] : memref<10240x16xf32, #tpu.memory_space<hbm>> -> memref<640x16xf32, #tpu.memory_space<hbm>>
      tpu.wait_dma2 semaphore(%run_scoped3A : memref<!tpu.dma_semaphore, #tpu.memory_space<semaphore_mem>>) src(%dma_wait3A_84 : memref<640x16xf32, #tpu.memory_space<hbm>>) dst(%arg17 : memref<640x16xf32, #tpu.memory_space<vmem>>)
      tpu.yield
    }) : () -> ()
    "tpu.region"() ({
      %run_scoped3A = tpu.sem_alloc : memref<!tpu.dma_semaphore, #tpu.memory_space<semaphore_mem>>
      %dma_start3A_77 = arith.constant 0 : i32
      %dma_start3A_78 = tpu.memref_slice %arg5[%mul3A_2, %dma_start3A_77] : memref<20480x16xf32, #tpu.memory_space<hbm>> -> memref<640x16xf32, #tpu.memory_space<hbm>>
      %dma_start3A_79 = arith.constant 0 : i32
      %dma_start3A_80 = tpu.memref_slice %arg5[%mul3A_2, %dma_start3A_79] : memref<20480x16xf32, #tpu.memory_space<hbm>> -> memref<640x16xf32, #tpu.memory_space<hbm>>
      tpu.enqueue_dma source(%dma_start3A_80 : memref<640x16xf32, #tpu.memory_space<hbm>>) target(%arg18 : memref<640x16xf32, #tpu.memory_space<vmem>>) target_semaphore(%run_scoped3A : memref<!tpu.dma_semaphore, #tpu.memory_space<semaphore_mem>>)
      %dma_wait3A_81 = arith.constant 0 : i32
      %dma_wait3A_82 = tpu.memref_slice %arg5[%mul3A_2, %dma_wait3A_81] : memref<20480x16xf32, #tpu.memory_space<hbm>> -> memref<640x16xf32, #tpu.memory_space<hbm>>
      %dma_wait3A_83 = arith.constant 0 : i32
      %dma_wait3A_84 = tpu.memref_slice %arg5[%mul3A_2, %dma_wait3A_83] : memref<20480x16xf32, #tpu.memory_space<hbm>> -> memref<640x16xf32, #tpu.memory_space<hbm>>
      tpu.wait_dma2 semaphore(%run_scoped3A : memref<!tpu.dma_semaphore, #tpu.memory_space<semaphore_mem>>) src(%dma_wait3A_84 : memref<640x16xf32, #tpu.memory_space<hbm>>) dst(%arg18 : memref<640x16xf32, #tpu.memory_space<vmem>>)
      tpu.yield
    }) : () -> ()
    %add3A_7 = arith.constant 10240 : i32
    %add3A_8 = arith.addi %add3A_7, %mul3A_2 : i32
    "tpu.region"() ({
      %run_scoped3A = tpu.sem_alloc : memref<!tpu.dma_semaphore, #tpu.memory_space<semaphore_mem>>
      %dma_start3A_77 = arith.constant 0 : i32
      %dma_start3A_78 = tpu.memref_slice %arg5[%add3A_8, %dma_start3A_77] : memref<20480x16xf32, #tpu.memory_space<hbm>> -> memref<640x16xf32, #tpu.memory_space<hbm>>
      %dma_start3A_79 = arith.constant 0 : i32
      %dma_start3A_80 = tpu.memref_slice %arg5[%add3A_8, %dma_start3A_79] : memref<20480x16xf32, #tpu.memory_space<hbm>> -> memref<640x16xf32, #tpu.memory_space<hbm>>
      tpu.enqueue_dma source(%dma_start3A_80 : memref<640x16xf32, #tpu.memory_space<hbm>>) target(%arg19 : memref<640x16xf32, #tpu.memory_space<vmem>>) target_semaphore(%run_scoped3A : memref<!tpu.dma_semaphore, #tpu.memory_space<semaphore_mem>>)
      %dma_wait3A_81 = arith.constant 0 : i32
      %dma_wait3A_82 = tpu.memref_slice %arg5[%add3A_8, %dma_wait3A_81] : memref<20480x16xf32, #tpu.memory_space<hbm>> -> memref<640x16xf32, #tpu.memory_space<hbm>>
      %dma_wait3A_83 = arith.constant 0 : i32
      %dma_wait3A_84 = tpu.memref_slice %arg5[%add3A_8, %dma_wait3A_83] : memref<20480x16xf32, #tpu.memory_space<hbm>> -> memref<640x16xf32, #tpu.memory_space<hbm>>
      tpu.wait_dma2 semaphore(%run_scoped3A : memref<!tpu.dma_semaphore, #tpu.memory_space<semaphore_mem>>) src(%dma_wait3A_84 : memref<640x16xf32, #tpu.memory_space<hbm>>) dst(%arg19 : memref<640x16xf32, #tpu.memory_space<vmem>>)
      tpu.yield
    }) : () -> ()
    "tpu.region"() ({
      %run_scoped3A = tpu.sem_alloc : memref<!tpu.dma_semaphore, #tpu.memory_space<semaphore_mem>>
      %dma_start3A_77 = arith.constant 0 : i32
      %dma_start3A_78 = tpu.memref_slice %arg6[%mul3A_2, %dma_start3A_77] : memref<20480x16xf32, #tpu.memory_space<hbm>> -> memref<640x16xf32, #tpu.memory_space<hbm>>
      %dma_start3A_79 = arith.constant 0 : i32
      %dma_start3A_80 = tpu.memref_slice %arg6[%mul3A_2, %dma_start3A_79] : memref<20480x16xf32, #tpu.memory_space<hbm>> -> memref<640x16xf32, #tpu.memory_space<hbm>>
      tpu.enqueue_dma source(%dma_start3A_80 : memref<640x16xf32, #tpu.memory_space<hbm>>) target(%arg20 : memref<640x16xf32, #tpu.memory_space<vmem>>) target_semaphore(%run_scoped3A : memref<!tpu.dma_semaphore, #tpu.memory_space<semaphore_mem>>)
      %dma_wait3A_81 = arith.constant 0 : i32
      %dma_wait3A_82 = tpu.memref_slice %arg6[%mul3A_2, %dma_wait3A_81] : memref<20480x16xf32, #tpu.memory_space<hbm>> -> memref<640x16xf32, #tpu.memory_space<hbm>>
      %dma_wait3A_83 = arith.constant 0 : i32
      %dma_wait3A_84 = tpu.memref_slice %arg6[%mul3A_2, %dma_wait3A_83] : memref<20480x16xf32, #tpu.memory_space<hbm>> -> memref<640x16xf32, #tpu.memory_space<hbm>>
      tpu.wait_dma2 semaphore(%run_scoped3A : memref<!tpu.dma_semaphore, #tpu.memory_space<semaphore_mem>>) src(%dma_wait3A_84 : memref<640x16xf32, #tpu.memory_space<hbm>>) dst(%arg20 : memref<640x16xf32, #tpu.memory_space<vmem>>)
      tpu.yield
    }) : () -> ()
    %add3A_9 = arith.constant 10240 : i32
    %add3A_10 = arith.addi %add3A_9, %mul3A_2 : i32
    "tpu.region"() ({
      %run_scoped3A = tpu.sem_alloc : memref<!tpu.dma_semaphore, #tpu.memory_space<semaphore_mem>>
      %dma_start3A_77 = arith.constant 0 : i32
      %dma_start3A_78 = tpu.memref_slice %arg6[%add3A_10, %dma_start3A_77] : memref<20480x16xf32, #tpu.memory_space<hbm>> -> memref<640x16xf32, #tpu.memory_space<hbm>>
      %dma_start3A_79 = arith.constant 0 : i32
      %dma_start3A_80 = tpu.memref_slice %arg6[%add3A_10, %dma_start3A_79] : memref<20480x16xf32, #tpu.memory_space<hbm>> -> memref<640x16xf32, #tpu.memory_space<hbm>>
      tpu.enqueue_dma source(%dma_start3A_80 : memref<640x16xf32, #tpu.memory_space<hbm>>) target(%arg21 : memref<640x16xf32, #tpu.memory_space<vmem>>) target_semaphore(%run_scoped3A : memref<!tpu.dma_semaphore, #tpu.memory_space<semaphore_mem>>)
      %dma_wait3A_81 = arith.constant 0 : i32
      %dma_wait3A_82 = tpu.memref_slice %arg6[%add3A_10, %dma_wait3A_81] : memref<20480x16xf32, #tpu.memory_space<hbm>> -> memref<640x16xf32, #tpu.memory_space<hbm>>
      %dma_wait3A_83 = arith.constant 0 : i32
      %dma_wait3A_84 = tpu.memref_slice %arg6[%add3A_10, %dma_wait3A_83] : memref<20480x16xf32, #tpu.memory_space<hbm>> -> memref<640x16xf32, #tpu.memory_space<hbm>>
      tpu.wait_dma2 semaphore(%run_scoped3A : memref<!tpu.dma_semaphore, #tpu.memory_space<semaphore_mem>>) src(%dma_wait3A_84 : memref<640x16xf32, #tpu.memory_space<hbm>>) dst(%arg21 : memref<640x16xf32, #tpu.memory_space<vmem>>)
      tpu.yield
    }) : () -> ()
    %scan3A = arith.constant 0 : i32
    %scan3A_11 = arith.constant 640 : i32
    %scan3A_12 = arith.addi %scan3A, %scan3A_11 : i32
    %scan3A_13 = arith.constant 1 : i32
    scf.for %scan3A_77 = %scan3A to %scan3A_12 step %scan3A_13  : i32 {
      %mul3A_78 = arith.constant 1 : i32
      %mul3A_79 = arith.muli %scan3A_77, %mul3A_78 : i32
      %add3A_80 = arith.constant 0 : i32
      %add3A_81 = arith.addi %add3A_80, %mul3A_79 : i32
      %get3A = arith.index_cast %add3A_81 : i32 to index
      %get3A_82 = arith.constant 0 : index
      %get3A_83 = tpu.vector_load %arg18[%get3A, %get3A_82] {strides = array<i32>} : memref<640x16xf32, #tpu.memory_space<vmem>>, vector<1x16xf32>,
      %get3A_84 = vector.shape_cast %get3A_83 : vector<1x16xf32> to vector<16xf32>
      %get3A_85 = arith.index_cast %add3A_81 : i32 to index
      %get3A_86 = arith.constant 0 : index
      %get3A_87 = tpu.vector_load %arg19[%get3A_85, %get3A_86] {strides = array<i32>} : memref<640x16xf32, #tpu.memory_space<vmem>>, vector<1x16xf32>,
      %get3A_88 = vector.shape_cast %get3A_87 : vector<1x16xf32> to vector<16xf32>
      %add3A_89 = arith.addf %get3A_84, %get3A_88 : vector<16xf32>
      %get3A_90 = arith.index_cast %add3A_81 : i32 to index
      %get3A_91 = arith.constant 0 : index
      %get3A_92 = tpu.vector_load %arg20[%get3A_90, %get3A_91] {strides = array<i32>} : memref<640x16xf32, #tpu.memory_space<vmem>>, vector<1x16xf32>,
      %get3A_93 = vector.shape_cast %get3A_92 : vector<1x16xf32> to vector<16xf32>
      %get3A_94 = arith.index_cast %add3A_81 : i32 to index
      %get3A_95 = arith.constant 0 : index
      %get3A_96 = tpu.vector_load %arg21[%get3A_94, %get3A_95] {strides = array<i32>} : memref<640x16xf32, #tpu.memory_space<vmem>>, vector<1x16xf32>,
      %get3A_97 = vector.shape_cast %get3A_96 : vector<1x16xf32> to vector<16xf32>
      %add3A_98 = arith.addf %get3A_93, %get3A_97 : vector<16xf32>
      %max3A = arith.constant 1.000000e+00 : f32
      %max3A_99 = vector.broadcast %max3A : f32 to vector<16xf32>
      %max3A_100 = arith.maximumf %add3A_98, %max3A_99 : vector<16xf32>
      %div3A_101 = arith.divf %add3A_89, %max3A_100 : vector<16xf32>
      %get3A_102 = arith.index_cast %add3A_81 : i32 to index
      %get3A_103 = arith.constant 0 : index
      %get3A_104 = tpu.vector_load %arg17[%get3A_102, %get3A_103] {strides = array<i32>} : memref<640x16xf32, #tpu.memory_space<vmem>>, vector<1x16xf32>,
      %get3A_105 = vector.shape_cast %get3A_104 : vector<1x16xf32> to vector<16xf32>
      %add3A_106 = arith.addf %get3A_105, %div3A_101 : vector<16xf32>
      %max3A_107 = arith.constant 0.000000e+00 : f32
      %max3A_108 = vector.broadcast %max3A_107 : f32 to vector<16xf32>
      %max3A_109 = arith.maximumf %add3A_106, %max3A_108 : vector<16xf32>
      %swap3A = arith.index_cast %add3A_81 : i32 to index
      %swap3A_110 = arith.constant 0 : index
      %swap3A_111 = tpu.vector_load %arg17[%swap3A, %swap3A_110] {strides = array<i32>} : memref<640x16xf32, #tpu.memory_space<vmem>>, vector<1x16xf32>,
      %swap3A_112 = vector.shape_cast %swap3A_111 : vector<1x16xf32> to vector<16xf32>
      %swap3A_113 = vector.shape_cast %max3A_109 : vector<16xf32> to vector<1x16xf32>
      tpu.vector_store %arg17[%swap3A, %swap3A_110], %swap3A_113 {strides = array<i32>} : memref<640x16xf32, #tpu.memory_space<vmem>>, vector<1x16xf32>,
    }
    %scan3A_14 = arith.constant 640 : i32
    "tpu.region"() ({
      %run_scoped3A = tpu.sem_alloc : memref<!tpu.dma_semaphore, #tpu.memory_space<semaphore_mem>>
      %dma_start3A_77 = arith.constant 0 : i32
      %dma_start3A_78 = tpu.memref_slice %arg22[%mul3A_2, %dma_start3A_77] : memref<10240x16xf32, #tpu.memory_space<vmem_shared>> -> memref<640x16xf32, #tpu.memory_space<vmem_shared>>
      %dma_start3A_79 = arith.constant 0 : i32
      %dma_start3A_80 = tpu.memref_slice %arg22[%mul3A_2, %dma_start3A_79] : memref<10240x16xf32, #tpu.memory_space<vmem_shared>> -> memref<640x16xf32, #tpu.memory_space<vmem_shared>>
      tpu.enqueue_dma source(%arg17 : memref<640x16xf32, #tpu.memory_space<vmem>>) target(%dma_start3A_80 : memref<640x16xf32, #tpu.memory_space<vmem_shared>>) target_semaphore(%run_scoped3A : memref<!tpu.dma_semaphore, #tpu.memory_space<semaphore_mem>>)
      %dma_wait3A_81 = arith.constant 0 : i32
      %dma_wait3A_82 = tpu.memref_slice %arg22[%mul3A_2, %dma_wait3A_81] : memref<10240x16xf32, #tpu.memory_space<vmem_shared>> -> memref<640x16xf32, #tpu.memory_space<vmem_shared>>
      %dma_wait3A_83 = arith.constant 0 : i32
      %dma_wait3A_84 = tpu.memref_slice %arg22[%mul3A_2, %dma_wait3A_83] : memref<10240x16xf32, #tpu.memory_space<vmem_shared>> -> memref<640x16xf32, #tpu.memory_space<vmem_shared>>
      tpu.wait_dma2 semaphore(%run_scoped3A : memref<!tpu.dma_semaphore, #tpu.memory_space<semaphore_mem>>) src(%arg17 : memref<640x16xf32, #tpu.memory_space<vmem>>) dst(%dma_wait3A_84 : memref<640x16xf32, #tpu.memory_space<vmem_shared>>)
      tpu.yield
    }) : () -> ()
    %jit3A = arith.constant 8 : i32
    %div3A = arith.divsi %arg1, %jit3A : i32
    %sign3A = arith.constant 0 : i32
    %sign3A_15 = arith.cmpi sgt, %arg1, %sign3A : i32
    %sign3A_16 = arith.extui %sign3A_15 : i1 to i32
    %sign3A_17 = arith.constant 0 : i32
    %sign3A_18 = arith.cmpi slt, %arg1, %sign3A_17 : i32
    %sign3A_19 = arith.extui %sign3A_18 : i1 to i32
    %sign3A_20 = arith.subi %sign3A_16, %sign3A_19 : i32
    %sign3A_21 = arith.constant 0 : i32
    %sign3A_22 = arith.cmpi sgt, %jit3A, %sign3A_21 : i32
    %sign3A_23 = arith.extui %sign3A_22 : i1 to i32
    %sign3A_24 = arith.constant 0 : i32
    %sign3A_25 = arith.cmpi slt, %jit3A, %sign3A_24 : i32
    %sign3A_26 = arith.extui %sign3A_25 : i1 to i32
    %sign3A_27 = arith.subi %sign3A_23, %sign3A_26 : i32
    %ne3A = arith.cmpi ne, %sign3A_20, %sign3A_27 : i32
    %rem3A = arith.remsi %arg1, %jit3A : i32
    %ne3A_28 = arith.constant 0 : i32
    %ne3A_29 = arith.cmpi ne, %rem3A, %ne3A_28 : i32
    %and3A = arith.andi %ne3A, %ne3A_29 : i1
    %sub3A = arith.constant 1 : i32
    %sub3A_30 = arith.subi %div3A, %sub3A : i32
    %select_n3A = arith.select %and3A, %sub3A_30, %div3A : i32
    %eq3A = arith.cmpi eq, %select_n3A, %arg0 : i32
    %convert_element_type3A = arith.extui %eq3A : i1 to i32
    %cond3A = arith.constant 0 : i32
    %cond3A_31 = arith.cmpi ne, %convert_element_type3A, %cond3A : i32
    scf.if %cond3A_31 {
      "tpu.region"() ({
        %run_scoped3A = tpu.sem_alloc : memref<!tpu.dma_semaphore, #tpu.memory_space<semaphore_mem>>
        %dma_start3A_77 = arith.constant 0 : i32
        %dma_start3A_78 = tpu.memref_slice %arg9[%mul3A_2, %dma_start3A_77] : memref<10240x16xf32, #tpu.memory_space<hbm>> -> memref<640x16xf32, #tpu.memory_space<hbm>>
        %dma_start3A_79 = arith.constant 0 : i32
        %dma_start3A_80 = tpu.memref_slice %arg9[%mul3A_2, %dma_start3A_79] : memref<10240x16xf32, #tpu.memory_space<hbm>> -> memref<640x16xf32, #tpu.memory_space<hbm>>
        tpu.enqueue_dma source(%arg17 : memref<640x16xf32, #tpu.memory_space<vmem>>) target(%dma_start3A_80 : memref<640x16xf32, #tpu.memory_space<hbm>>) target_semaphore(%run_scoped3A : memref<!tpu.dma_semaphore, #tpu.memory_space<semaphore_mem>>)
        %dma_wait3A_81 = arith.constant 0 : i32
        %dma_wait3A_82 = tpu.memref_slice %arg9[%mul3A_2, %dma_wait3A_81] : memref<10240x16xf32, #tpu.memory_space<hbm>> -> memref<640x16xf32, #tpu.memory_space<hbm>>
        %dma_wait3A_83 = arith.constant 0 : i32
        %dma_wait3A_84 = tpu.memref_slice %arg9[%mul3A_2, %dma_wait3A_83] : memref<10240x16xf32, #tpu.memory_space<hbm>> -> memref<640x16xf32, #tpu.memory_space<hbm>>
        tpu.wait_dma2 semaphore(%run_scoped3A : memref<!tpu.dma_semaphore, #tpu.memory_space<semaphore_mem>>) src(%arg17 : memref<640x16xf32, #tpu.memory_space<vmem>>) dst(%dma_wait3A_84 : memref<640x16xf32, #tpu.memory_space<hbm>>)
        tpu.yield
      }) : () -> ()
    } else {
    }
    %add3A_32 = arith.constant 0 : i32
    %add3A_33 = arith.addi %mul3A_2, %add3A_32 : i32
    "tpu.region"() ({
      %run_scoped3A = tpu.sem_alloc : memref<!tpu.dma_semaphore, #tpu.memory_space<semaphore_mem>>
      %dma_start3A_77 = arith.constant 0 : i32
      %dma_start3A_78 = tpu.memref_slice %arg23[%add3A_33, %dma_start3A_77] : memref<10240x16xf32, #tpu.memory_space<vmem_shared>> -> memref<128x16xf32, #tpu.memory_space<vmem_shared>>
      %dma_start3A_79 = arith.constant 0 : i32
      %dma_start3A_80 = tpu.memref_slice %arg23[%add3A_33, %dma_start3A_79] : memref<10240x16xf32, #tpu.memory_space<vmem_shared>> -> memref<128x16xf32, #tpu.memory_space<vmem_shared>>
      tpu.enqueue_dma source(%arg16 : memref<128x16xf32, #tpu.memory_space<vmem>>) target(%dma_start3A_80 : memref<128x16xf32, #tpu.memory_space<vmem_shared>>) target_semaphore(%run_scoped3A : memref<!tpu.dma_semaphore, #tpu.memory_space<semaphore_mem>>)
      %dma_wait3A_81 = arith.constant 0 : i32
      %dma_wait3A_82 = tpu.memref_slice %arg23[%add3A_33, %dma_wait3A_81] : memref<10240x16xf32, #tpu.memory_space<vmem_shared>> -> memref<128x16xf32, #tpu.memory_space<vmem_shared>>
      %dma_wait3A_83 = arith.constant 0 : i32
      %dma_wait3A_84 = tpu.memref_slice %arg23[%add3A_33, %dma_wait3A_83] : memref<10240x16xf32, #tpu.memory_space<vmem_shared>> -> memref<128x16xf32, #tpu.memory_space<vmem_shared>>
      tpu.wait_dma2 semaphore(%run_scoped3A : memref<!tpu.dma_semaphore, #tpu.memory_space<semaphore_mem>>) src(%arg16 : memref<128x16xf32, #tpu.memory_space<vmem>>) dst(%dma_wait3A_84 : memref<128x16xf32, #tpu.memory_space<vmem_shared>>)
      tpu.yield
    }) : () -> ()
    %add3A_34 = arith.constant 128 : i32
    %add3A_35 = arith.addi %mul3A_2, %add3A_34 : i32
    "tpu.region"() ({
      %run_scoped3A = tpu.sem_alloc : memref<!tpu.dma_semaphore, #tpu.memory_space<semaphore_mem>>
      %dma_start3A_77 = arith.constant 0 : i32
      %dma_start3A_78 = tpu.memref_slice %arg23[%add3A_35, %dma_start3A_77] : memref<10240x16xf32, #tpu.memory_space<vmem_shared>> -> memref<128x16xf32, #tpu.memory_space<vmem_shared>>
      %dma_start3A_79 = arith.constant 0 : i32
      %dma_start3A_80 = tpu.memref_slice %arg23[%add3A_35, %dma_start3A_79] : memref<10240x16xf32, #tpu.memory_space<vmem_shared>> -> memref<128x16xf32, #tpu.memory_space<vmem_shared>>
      tpu.enqueue_dma source(%arg16 : memref<128x16xf32, #tpu.memory_space<vmem>>) target(%dma_start3A_80 : memref<128x16xf32, #tpu.memory_space<vmem_shared>>) target_semaphore(%run_scoped3A : memref<!tpu.dma_semaphore, #tpu.memory_space<semaphore_mem>>)
      %dma_wait3A_81 = arith.constant 0 : i32
      %dma_wait3A_82 = tpu.memref_slice %arg23[%add3A_35, %dma_wait3A_81] : memref<10240x16xf32, #tpu.memory_space<vmem_shared>> -> memref<128x16xf32, #tpu.memory_space<vmem_shared>>
      %dma_wait3A_83 = arith.constant 0 : i32
      %dma_wait3A_84 = tpu.memref_slice %arg23[%add3A_35, %dma_wait3A_83] : memref<10240x16xf32, #tpu.memory_space<vmem_shared>> -> memref<128x16xf32, #tpu.memory_space<vmem_shared>>
      tpu.wait_dma2 semaphore(%run_scoped3A : memref<!tpu.dma_semaphore, #tpu.memory_space<semaphore_mem>>) src(%arg16 : memref<128x16xf32, #tpu.memory_space<vmem>>) dst(%dma_wait3A_84 : memref<128x16xf32, #tpu.memory_space<vmem_shared>>)
      tpu.yield
    }) : () -> ()
    %add3A_36 = arith.constant 256 : i32
    %add3A_37 = arith.addi %mul3A_2, %add3A_36 : i32
    "tpu.region"() ({
      %run_scoped3A = tpu.sem_alloc : memref<!tpu.dma_semaphore, #tpu.memory_space<semaphore_mem>>
      %dma_start3A_77 = arith.constant 0 : i32
      %dma_start3A_78 = tpu.memref_slice %arg23[%add3A_37, %dma_start3A_77] : memref<10240x16xf32, #tpu.memory_space<vmem_shared>> -> memref<128x16xf32, #tpu.memory_space<vmem_shared>>
      %dma_start3A_79 = arith.constant 0 : i32
      %dma_start3A_80 = tpu.memref_slice %arg23[%add3A_37, %dma_start3A_79] : memref<10240x16xf32, #tpu.memory_space<vmem_shared>> -> memref<128x16xf32, #tpu.memory_space<vmem_shared>>
      tpu.enqueue_dma source(%arg16 : memref<128x16xf32, #tpu.memory_space<vmem>>) target(%dma_start3A_80 : memref<128x16xf32, #tpu.memory_space<vmem_shared>>) target_semaphore(%run_scoped3A : memref<!tpu.dma_semaphore, #tpu.memory_space<semaphore_mem>>)
      %dma_wait3A_81 = arith.constant 0 : i32
      %dma_wait3A_82 = tpu.memref_slice %arg23[%add3A_37, %dma_wait3A_81] : memref<10240x16xf32, #tpu.memory_space<vmem_shared>> -> memref<128x16xf32, #tpu.memory_space<vmem_shared>>
      %dma_wait3A_83 = arith.constant 0 : i32
      %dma_wait3A_84 = tpu.memref_slice %arg23[%add3A_37, %dma_wait3A_83] : memref<10240x16xf32, #tpu.memory_space<vmem_shared>> -> memref<128x16xf32, #tpu.memory_space<vmem_shared>>
      tpu.wait_dma2 semaphore(%run_scoped3A : memref<!tpu.dma_semaphore, #tpu.memory_space<semaphore_mem>>) src(%arg16 : memref<128x16xf32, #tpu.memory_space<vmem>>) dst(%dma_wait3A_84 : memref<128x16xf32, #tpu.memory_space<vmem_shared>>)
      tpu.yield
    }) : () -> ()
    %add3A_38 = arith.constant 384 : i32
    %add3A_39 = arith.addi %mul3A_2, %add3A_38 : i32
    "tpu.region"() ({
      %run_scoped3A = tpu.sem_alloc : memref<!tpu.dma_semaphore, #tpu.memory_space<semaphore_mem>>
      %dma_start3A_77 = arith.constant 0 : i32
      %dma_start3A_78 = tpu.memref_slice %arg23[%add3A_39, %dma_start3A_77] : memref<10240x16xf32, #tpu.memory_space<vmem_shared>> -> memref<128x16xf32, #tpu.memory_space<vmem_shared>>
      %dma_start3A_79 = arith.constant 0 : i32
      %dma_start3A_80 = tpu.memref_slice %arg23[%add3A_39, %dma_start3A_79] : memref<10240x16xf32, #tpu.memory_space<vmem_shared>> -> memref<128x16xf32, #tpu.memory_space<vmem_shared>>
      tpu.enqueue_dma source(%arg16 : memref<128x16xf32, #tpu.memory_space<vmem>>) target(%dma_start3A_80 : memref<128x16xf32, #tpu.memory_space<vmem_shared>>) target_semaphore(%run_scoped3A : memref<!tpu.dma_semaphore, #tpu.memory_space<semaphore_mem>>)
      %dma_wait3A_81 = arith.constant 0 : i32
      %dma_wait3A_82 = tpu.memref_slice %arg23[%add3A_39, %dma_wait3A_81] : memref<10240x16xf32, #tpu.memory_space<vmem_shared>> -> memref<128x16xf32, #tpu.memory_space<vmem_shared>>
      %dma_wait3A_83 = arith.constant 0 : i32
      %dma_wait3A_84 = tpu.memref_slice %arg23[%add3A_39, %dma_wait3A_83] : memref<10240x16xf32, #tpu.memory_space<vmem_shared>> -> memref<128x16xf32, #tpu.memory_space<vmem_shared>>
      tpu.wait_dma2 semaphore(%run_scoped3A : memref<!tpu.dma_semaphore, #tpu.memory_space<semaphore_mem>>) src(%arg16 : memref<128x16xf32, #tpu.memory_space<vmem>>) dst(%dma_wait3A_84 : memref<128x16xf32, #tpu.memory_space<vmem_shared>>)
      tpu.yield
    }) : () -> ()
    %add3A_40 = arith.constant 512 : i32
    %add3A_41 = arith.addi %mul3A_2, %add3A_40 : i32
    "tpu.region"() ({
      %run_scoped3A = tpu.sem_alloc : memref<!tpu.dma_semaphore, #tpu.memory_space<semaphore_mem>>
      %dma_start3A_77 = arith.constant 0 : i32
      %dma_start3A_78 = tpu.memref_slice %arg23[%add3A_41, %dma_start3A_77] : memref<10240x16xf32, #tpu.memory_space<vmem_shared>> -> memref<128x16xf32, #tpu.memory_space<vmem_shared>>
      %dma_start3A_79 = arith.constant 0 : i32
      %dma_start3A_80 = tpu.memref_slice %arg23[%add3A_41, %dma_start3A_79] : memref<10240x16xf32, #tpu.memory_space<vmem_shared>> -> memref<128x16xf32, #tpu.memory_space<vmem_shared>>
      tpu.enqueue_dma source(%arg16 : memref<128x16xf32, #tpu.memory_space<vmem>>) target(%dma_start3A_80 : memref<128x16xf32, #tpu.memory_space<vmem_shared>>) target_semaphore(%run_scoped3A : memref<!tpu.dma_semaphore, #tpu.memory_space<semaphore_mem>>)
      %dma_wait3A_81 = arith.constant 0 : i32
      %dma_wait3A_82 = tpu.memref_slice %arg23[%add3A_41, %dma_wait3A_81] : memref<10240x16xf32, #tpu.memory_space<vmem_shared>> -> memref<128x16xf32, #tpu.memory_space<vmem_shared>>
      %dma_wait3A_83 = arith.constant 0 : i32
      %dma_wait3A_84 = tpu.memref_slice %arg23[%add3A_41, %dma_wait3A_83] : memref<10240x16xf32, #tpu.memory_space<vmem_shared>> -> memref<128x16xf32, #tpu.memory_space<vmem_shared>>
      tpu.wait_dma2 semaphore(%run_scoped3A : memref<!tpu.dma_semaphore, #tpu.memory_space<semaphore_mem>>) src(%arg16 : memref<128x16xf32, #tpu.memory_space<vmem>>) dst(%dma_wait3A_84 : memref<128x16xf32, #tpu.memory_space<vmem_shared>>)
      tpu.yield
    }) : () -> ()
    %barrier3A = arith.constant 0 : index
    tpu.barrier barrier_id(%barrier3A)
    %dma_start3A = arith.constant 0 : i32
    %dma_start3A_42 = arith.constant 0 : i32
    %dma_start3A_43 = tpu.memref_slice %arg10[%dma_start3A, %dma_start3A_42] : memref<80x128xi32, #tpu.memory_space<vmem>> -> memref<1x128xi32, #tpu.memory_space<vmem>>
    %dma_start3A_44 = tpu.memref_squeeze %dma_start3A_43 : memref<1x128xi32, #tpu.memory_space<vmem>> -> memref<128xi32, #tpu.memory_space<vmem>>
    %dma_start3A_45 = arith.constant 0 : i32
    %dma_start3A_46 = arith.constant 0 : i32
    %dma_start3A_47 = tpu.memref_slice %arg22[%dma_start3A_45, %dma_start3A_46] : memref<10240x16xf32, #tpu.memory_space<vmem_shared>> -> memref<10240x16xf32, #tpu.memory_space<vmem_shared>>
    tpu.enqueue_indirect_dma source(%dma_start3A_47 : memref<10240x16xf32, #tpu.memory_space<vmem_shared>>) target(%arg12 : memref<128x16xf32, #tpu.memory_space<vmem>>) offsets(%dma_start3A_44 : memref<128xi32, #tpu.memory_space<vmem>>) semaphore(%arg24 : memref<!tpu.dma_semaphore, #tpu.memory_space<semaphore_mem>>)
    %dma_start3A_48 = arith.constant 1 : i32
    %dma_start3A_49 = arith.constant 0 : i32
    %dma_start3A_50 = tpu.memref_slice %arg10[%dma_start3A_48, %dma_start3A_49] : memref<80x128xi32, #tpu.memory_space<vmem>> -> memref<1x128xi32, #tpu.memory_space<vmem>>
    %dma_start3A_51 = tpu.memref_squeeze %dma_start3A_50 : memref<1x128xi32, #tpu.memory_space<vmem>> -> memref<128xi32, #tpu.memory_space<vmem>>
    %dma_start3A_52 = arith.constant 0 : i32
    %dma_start3A_53 = arith.constant 0 : i32
    %dma_start3A_54 = tpu.memref_slice %arg22[%dma_start3A_52, %dma_start3A_53] : memref<10240x16xf32, #tpu.memory_space<vmem_shared>> -> memref<10240x16xf32, #tpu.memory_space<vmem_shared>>
    tpu.enqueue_indirect_dma source(%dma_start3A_54 : memref<10240x16xf32, #tpu.memory_space<vmem_shared>>) target(%arg13 : memref<128x16xf32, #tpu.memory_space<vmem>>) offsets(%dma_start3A_51 : memref<128xi32, #tpu.memory_space<vmem>>) semaphore(%arg25 : memref<!tpu.dma_semaphore, #tpu.memory_space<semaphore_mem>>)
    %scan3A_55 = arith.constant 0 : i32
    %scan3A_56 = arith.constant 20 : i32
    %scan3A_57 = arith.addi %scan3A_55, %scan3A_56 : i32
    %scan3A_58 = arith.constant 1 : i32
    scf.for %scan3A_77 = %scan3A_55 to %scan3A_57 step %scan3A_58  : i32 {
      %mul3A_78 = arith.constant 4 : i32
      %mul3A_79 = arith.muli %scan3A_77, %mul3A_78 : i32
      %add3A_80 = arith.constant 0 : i32
      %add3A_81 = arith.addi %add3A_80, %mul3A_79 : i32
      %add3A_82 = arith.constant 0 : i32
      %add3A_83 = arith.addi %add3A_81, %add3A_82 : i32
      %add3A_84 = arith.constant 2 : i32
      %add3A_85 = arith.addi %add3A_83, %add3A_84 : i32
      %sub3A_86 = arith.constant 4 : i32
      %sub3A_87 = arith.subi %add3A_85, %sub3A_86 : i32
      %dma_wait3A_88 = arith.constant 0 : i32
      %dma_wait3A_89 = tpu.memref_slice %arg10[%add3A_83, %dma_wait3A_88] : memref<80x128xi32, #tpu.memory_space<vmem>> -> memref<1x128xi32, #tpu.memory_space<vmem>>
      %dma_wait3A_90 = tpu.memref_squeeze %dma_wait3A_89 : memref<1x128xi32, #tpu.memory_space<vmem>> -> memref<128xi32, #tpu.memory_space<vmem>>
      %dma_wait3A_91 = arith.constant 0 : i32
      %dma_wait3A_92 = arith.constant 0 : i32
      %dma_wait3A_93 = tpu.memref_slice %arg22[%dma_wait3A_91, %dma_wait3A_92] : memref<10240x16xf32, #tpu.memory_space<vmem_shared>> -> memref<10240x16xf32, #tpu.memory_space<vmem_shared>>
      tpu.wait_indirect_dma semaphore(%arg24 : memref<!tpu.dma_semaphore, #tpu.memory_space<semaphore_mem>>) src(%dma_wait3A_93 : memref<10240x16xf32, #tpu.memory_space<vmem_shared>>) dst(%arg12 : memref<128x16xf32, #tpu.memory_space<vmem>>)
      %ge3A = arith.constant 0 : i32
      %ge3A_94 = arith.cmpi sge, %sub3A_87, %ge3A : i32
      %convert_element_type3A_95 = arith.extui %ge3A_94 : i1 to i32
      %cond3A_96 = arith.constant 0 : i32
      %cond3A_97 = arith.cmpi ne, %convert_element_type3A_95, %cond3A_96 : i32
      scf.if %cond3A_97 {
        %dma_wait3A_200 = arith.constant 0 : i32
        %dma_wait3A_201 = tpu.memref_slice %arg11[%sub3A_87, %dma_wait3A_200] : memref<80x128xi32, #tpu.memory_space<vmem>> -> memref<1x128xi32, #tpu.memory_space<vmem>>
        %dma_wait3A_202 = tpu.memref_squeeze %dma_wait3A_201 : memref<1x128xi32, #tpu.memory_space<vmem>> -> memref<128xi32, #tpu.memory_space<vmem>>
        %dma_wait3A_203 = arith.constant 0 : i32
        %dma_wait3A_204 = arith.constant 0 : i32
        %dma_wait3A_205 = tpu.memref_slice %arg23[%dma_wait3A_203, %dma_wait3A_204] : memref<10240x16xf32, #tpu.memory_space<vmem_shared>> -> memref<10240x16xf32, #tpu.memory_space<vmem_shared>>
        tpu.wait_indirect_dma semaphore(%arg30 : memref<!tpu.dma_semaphore, #tpu.memory_space<semaphore_mem>>) src(%arg14 : memref<128x16xf32, #tpu.memory_space<vmem>>) dst(%dma_wait3A_205 : memref<10240x16xf32, #tpu.memory_space<vmem_shared>>)
      } else {
      }
      %add3A_98 = arith.constant 2 : i32
      %add3A_99 = arith.addi %add3A_83, %add3A_98 : i32
      %lt3A = arith.constant 80 : i32
      %lt3A_100 = arith.cmpi slt, %add3A_99, %lt3A : i32
      %convert_element_type3A_101 = arith.extui %lt3A_100 : i1 to i32
      %cond3A_102 = arith.constant 0 : i32
      %cond3A_103 = arith.cmpi ne, %convert_element_type3A_101, %cond3A_102 : i32
      scf.if %cond3A_103 {
        %add3A_200 = arith.constant 2 : i32
        %add3A_201 = arith.addi %add3A_83, %add3A_200 : i32
        %dma_start3A_202 = arith.constant 0 : i32
        %dma_start3A_203 = tpu.memref_slice %arg10[%add3A_201, %dma_start3A_202] : memref<80x128xi32, #tpu.memory_space<vmem>> -> memref<1x128xi32, #tpu.memory_space<vmem>>
        %dma_start3A_204 = tpu.memref_squeeze %dma_start3A_203 : memref<1x128xi32, #tpu.memory_space<vmem>> -> memref<128xi32, #tpu.memory_space<vmem>>
        %dma_start3A_205 = arith.constant 0 : i32
        %dma_start3A_206 = arith.constant 0 : i32
        %dma_start3A_207 = tpu.memref_slice %arg22[%dma_start3A_205, %dma_start3A_206] : memref<10240x16xf32, #tpu.memory_space<vmem_shared>> -> memref<10240x16xf32, #tpu.memory_space<vmem_shared>>
        tpu.enqueue_indirect_dma source(%dma_start3A_207 : memref<10240x16xf32, #tpu.memory_space<vmem_shared>>) target(%arg14 : memref<128x16xf32, #tpu.memory_space<vmem>>) offsets(%dma_start3A_204 : memref<128xi32, #tpu.memory_space<vmem>>) semaphore(%arg26 : memref<!tpu.dma_semaphore, #tpu.memory_space<semaphore_mem>>)
      } else {
      }
      %dma_start3A_104 = arith.constant 0 : i32
      %dma_start3A_105 = tpu.memref_slice %arg11[%add3A_83, %dma_start3A_104] : memref<80x128xi32, #tpu.memory_space<vmem>> -> memref<1x128xi32, #tpu.memory_space<vmem>>
      %dma_start3A_106 = tpu.memref_squeeze %dma_start3A_105 : memref<1x128xi32, #tpu.memory_space<vmem>> -> memref<128xi32, #tpu.memory_space<vmem>>
      %dma_start3A_107 = arith.constant 0 : i32
      %dma_start3A_108 = arith.constant 0 : i32
      %dma_start3A_109 = tpu.memref_slice %arg23[%dma_start3A_107, %dma_start3A_108] : memref<10240x16xf32, #tpu.memory_space<vmem_shared>> -> memref<10240x16xf32, #tpu.memory_space<vmem_shared>>
      tpu.enqueue_indirect_dma source(%arg12 : memref<128x16xf32, #tpu.memory_space<vmem>>) target(%dma_start3A_109 : memref<10240x16xf32, #tpu.memory_space<vmem_shared>>) offsets(%dma_start3A_106 : memref<128xi32, #tpu.memory_space<vmem>>) semaphore(%arg28 : memref<!tpu.dma_semaphore, #tpu.memory_space<semaphore_mem>>) {add = true}
      %add3A_110 = arith.constant 1 : i32
      %add3A_111 = arith.addi %add3A_81, %add3A_110 : i32
      %add3A_112 = arith.constant 2 : i32
      %add3A_113 = arith.addi %add3A_111, %add3A_112 : i32
      %sub3A_114 = arith.constant 4 : i32
      %sub3A_115 = arith.subi %add3A_113, %sub3A_114 : i32
      %dma_wait3A_116 = arith.constant 0 : i32
      %dma_wait3A_117 = tpu.memref_slice %arg10[%add3A_111, %dma_wait3A_116] : memref<80x128xi32, #tpu.memory_space<vmem>> -> memref<1x128xi32, #tpu.memory_space<vmem>>
      %dma_wait3A_118 = tpu.memref_squeeze %dma_wait3A_117 : memref<1x128xi32, #tpu.memory_space<vmem>> -> memref<128xi32, #tpu.memory_space<vmem>>
      %dma_wait3A_119 = arith.constant 0 : i32
      %dma_wait3A_120 = arith.constant 0 : i32
      %dma_wait3A_121 = tpu.memref_slice %arg22[%dma_wait3A_119, %dma_wait3A_120] : memref<10240x16xf32, #tpu.memory_space<vmem_shared>> -> memref<10240x16xf32, #tpu.memory_space<vmem_shared>>
      tpu.wait_indirect_dma semaphore(%arg25 : memref<!tpu.dma_semaphore, #tpu.memory_space<semaphore_mem>>) src(%dma_wait3A_121 : memref<10240x16xf32, #tpu.memory_space<vmem_shared>>) dst(%arg13 : memref<128x16xf32, #tpu.memory_space<vmem>>)
      %ge3A_122 = arith.constant 0 : i32
      %ge3A_123 = arith.cmpi sge, %sub3A_115, %ge3A_122 : i32
      %convert_element_type3A_124 = arith.extui %ge3A_123 : i1 to i32
      %cond3A_125 = arith.constant 0 : i32
      %cond3A_126 = arith.cmpi ne, %convert_element_type3A_124, %cond3A_125 : i32
      scf.if %cond3A_126 {
        %dma_wait3A_200 = arith.constant 0 : i32
        %dma_wait3A_201 = tpu.memref_slice %arg11[%sub3A_115, %dma_wait3A_200] : memref<80x128xi32, #tpu.memory_space<vmem>> -> memref<1x128xi32, #tpu.memory_space<vmem>>
        %dma_wait3A_202 = tpu.memref_squeeze %dma_wait3A_201 : memref<1x128xi32, #tpu.memory_space<vmem>> -> memref<128xi32, #tpu.memory_space<vmem>>
        %dma_wait3A_203 = arith.constant 0 : i32
        %dma_wait3A_204 = arith.constant 0 : i32
        %dma_wait3A_205 = tpu.memref_slice %arg23[%dma_wait3A_203, %dma_wait3A_204] : memref<10240x16xf32, #tpu.memory_space<vmem_shared>> -> memref<10240x16xf32, #tpu.memory_space<vmem_shared>>
        tpu.wait_indirect_dma semaphore(%arg31 : memref<!tpu.dma_semaphore, #tpu.memory_space<semaphore_mem>>) src(%arg15 : memref<128x16xf32, #tpu.memory_space<vmem>>) dst(%dma_wait3A_205 : memref<10240x16xf32, #tpu.memory_space<vmem_shared>>)
      } else {
      }
      %add3A_127 = arith.constant 2 : i32
      %add3A_128 = arith.addi %add3A_111, %add3A_127 : i32
      %lt3A_129 = arith.constant 80 : i32
      %lt3A_130 = arith.cmpi slt, %add3A_128, %lt3A_129 : i32
      %convert_element_type3A_131 = arith.extui %lt3A_130 : i1 to i32
      %cond3A_132 = arith.constant 0 : i32
      %cond3A_133 = arith.cmpi ne, %convert_element_type3A_131, %cond3A_132 : i32
      scf.if %cond3A_133 {
        %add3A_200 = arith.constant 2 : i32
        %add3A_201 = arith.addi %add3A_111, %add3A_200 : i32
        %dma_start3A_202 = arith.constant 0 : i32
        %dma_start3A_203 = tpu.memref_slice %arg10[%add3A_201, %dma_start3A_202] : memref<80x128xi32, #tpu.memory_space<vmem>> -> memref<1x128xi32, #tpu.memory_space<vmem>>
        %dma_start3A_204 = tpu.memref_squeeze %dma_start3A_203 : memref<1x128xi32, #tpu.memory_space<vmem>> -> memref<128xi32, #tpu.memory_space<vmem>>
        %dma_start3A_205 = arith.constant 0 : i32
        %dma_start3A_206 = arith.constant 0 : i32
        %dma_start3A_207 = tpu.memref_slice %arg22[%dma_start3A_205, %dma_start3A_206] : memref<10240x16xf32, #tpu.memory_space<vmem_shared>> -> memref<10240x16xf32, #tpu.memory_space<vmem_shared>>
        tpu.enqueue_indirect_dma source(%dma_start3A_207 : memref<10240x16xf32, #tpu.memory_space<vmem_shared>>) target(%arg15 : memref<128x16xf32, #tpu.memory_space<vmem>>) offsets(%dma_start3A_204 : memref<128xi32, #tpu.memory_space<vmem>>) semaphore(%arg27 : memref<!tpu.dma_semaphore, #tpu.memory_space<semaphore_mem>>)
      } else {
      }
      %dma_start3A_134 = arith.constant 0 : i32
      %dma_start3A_135 = tpu.memref_slice %arg11[%add3A_111, %dma_start3A_134] : memref<80x128xi32, #tpu.memory_space<vmem>> -> memref<1x128xi32, #tpu.memory_space<vmem>>
      %dma_start3A_136 = tpu.memref_squeeze %dma_start3A_135 : memref<1x128xi32, #tpu.memory_space<vmem>> -> memref<128xi32, #tpu.memory_space<vmem>>
      %dma_start3A_137 = arith.constant 0 : i32
      %dma_start3A_138 = arith.constant 0 : i32
      %dma_start3A_139 = tpu.memref_slice %arg23[%dma_start3A_137, %dma_start3A_138] : memref<10240x16xf32, #tpu.memory_space<vmem_shared>> -> memref<10240x16xf32, #tpu.memory_space<vmem_shared>>
      tpu.enqueue_indirect_dma source(%arg13 : memref<128x16xf32, #tpu.memory_space<vmem>>) target(%dma_start3A_139 : memref<10240x16xf32, #tpu.memory_space<vmem_shared>>) offsets(%dma_start3A_136 : memref<128xi32, #tpu.memory_space<vmem>>) semaphore(%arg29 : memref<!tpu.dma_semaphore, #tpu.memory_space<semaphore_mem>>) {add = true}
      %add3A_140 = arith.constant 2 : i32
      %add3A_141 = arith.addi %add3A_81, %add3A_140 : i32
      %add3A_142 = arith.constant 2 : i32
      %add3A_143 = arith.addi %add3A_141, %add3A_142 : i32
      %sub3A_144 = arith.constant 4 : i32
      %sub3A_145 = arith.subi %add3A_143, %sub3A_144 : i32
      %dma_wait3A_146 = arith.constant 0 : i32
      %dma_wait3A_147 = tpu.memref_slice %arg10[%add3A_141, %dma_wait3A_146] : memref<80x128xi32, #tpu.memory_space<vmem>> -> memref<1x128xi32, #tpu.memory_space<vmem>>
      %dma_wait3A_148 = tpu.memref_squeeze %dma_wait3A_147 : memref<1x128xi32, #tpu.memory_space<vmem>> -> memref<128xi32, #tpu.memory_space<vmem>>
      %dma_wait3A_149 = arith.constant 0 : i32
      %dma_wait3A_150 = arith.constant 0 : i32
      %dma_wait3A_151 = tpu.memref_slice %arg22[%dma_wait3A_149, %dma_wait3A_150] : memref<10240x16xf32, #tpu.memory_space<vmem_shared>> -> memref<10240x16xf32, #tpu.memory_space<vmem_shared>>
      tpu.wait_indirect_dma semaphore(%arg26 : memref<!tpu.dma_semaphore, #tpu.memory_space<semaphore_mem>>) src(%dma_wait3A_151 : memref<10240x16xf32, #tpu.memory_space<vmem_shared>>) dst(%arg14 : memref<128x16xf32, #tpu.memory_space<vmem>>)
      %ge3A_152 = arith.constant 0 : i32
      %ge3A_153 = arith.cmpi sge, %sub3A_145, %ge3A_152 : i32
      %convert_element_type3A_154 = arith.extui %ge3A_153 : i1 to i32
      %cond3A_155 = arith.constant 0 : i32
      %cond3A_156 = arith.cmpi ne, %convert_element_type3A_154, %cond3A_155 : i32
      scf.if %cond3A_156 {
        %dma_wait3A_200 = arith.constant 0 : i32
        %dma_wait3A_201 = tpu.memref_slice %arg11[%sub3A_145, %dma_wait3A_200] : memref<80x128xi32, #tpu.memory_space<vmem>> -> memref<1x128xi32, #tpu.memory_space<vmem>>
        %dma_wait3A_202 = tpu.memref_squeeze %dma_wait3A_201 : memref<1x128xi32, #tpu.memory_space<vmem>> -> memref<128xi32, #tpu.memory_space<vmem>>
        %dma_wait3A_203 = arith.constant 0 : i32
        %dma_wait3A_204 = arith.constant 0 : i32
        %dma_wait3A_205 = tpu.memref_slice %arg23[%dma_wait3A_203, %dma_wait3A_204] : memref<10240x16xf32, #tpu.memory_space<vmem_shared>> -> memref<10240x16xf32, #tpu.memory_space<vmem_shared>>
        tpu.wait_indirect_dma semaphore(%arg28 : memref<!tpu.dma_semaphore, #tpu.memory_space<semaphore_mem>>) src(%arg12 : memref<128x16xf32, #tpu.memory_space<vmem>>) dst(%dma_wait3A_205 : memref<10240x16xf32, #tpu.memory_space<vmem_shared>>)
      } else {
      }
      %add3A_157 = arith.constant 2 : i32
      %add3A_158 = arith.addi %add3A_141, %add3A_157 : i32
      %lt3A_159 = arith.constant 80 : i32
      %lt3A_160 = arith.cmpi slt, %add3A_158, %lt3A_159 : i32
      %convert_element_type3A_161 = arith.extui %lt3A_160 : i1 to i32
      %cond3A_162 = arith.constant 0 : i32
      %cond3A_163 = arith.cmpi ne, %convert_element_type3A_161, %cond3A_162 : i32
      scf.if %cond3A_163 {
        %add3A_200 = arith.constant 2 : i32
        %add3A_201 = arith.addi %add3A_141, %add3A_200 : i32
        %dma_start3A_202 = arith.constant 0 : i32
        %dma_start3A_203 = tpu.memref_slice %arg10[%add3A_201, %dma_start3A_202] : memref<80x128xi32, #tpu.memory_space<vmem>> -> memref<1x128xi32, #tpu.memory_space<vmem>>
        %dma_start3A_204 = tpu.memref_squeeze %dma_start3A_203 : memref<1x128xi32, #tpu.memory_space<vmem>> -> memref<128xi32, #tpu.memory_space<vmem>>
        %dma_start3A_205 = arith.constant 0 : i32
        %dma_start3A_206 = arith.constant 0 : i32
        %dma_start3A_207 = tpu.memref_slice %arg22[%dma_start3A_205, %dma_start3A_206] : memref<10240x16xf32, #tpu.memory_space<vmem_shared>> -> memref<10240x16xf32, #tpu.memory_space<vmem_shared>>
        tpu.enqueue_indirect_dma source(%dma_start3A_207 : memref<10240x16xf32, #tpu.memory_space<vmem_shared>>) target(%arg12 : memref<128x16xf32, #tpu.memory_space<vmem>>) offsets(%dma_start3A_204 : memref<128xi32, #tpu.memory_space<vmem>>) semaphore(%arg24 : memref<!tpu.dma_semaphore, #tpu.memory_space<semaphore_mem>>)
      } else {
      }
      %dma_start3A_164 = arith.constant 0 : i32
      %dma_start3A_165 = tpu.memref_slice %arg11[%add3A_141, %dma_start3A_164] : memref<80x128xi32, #tpu.memory_space<vmem>> -> memref<1x128xi32, #tpu.memory_space<vmem>>
      %dma_start3A_166 = tpu.memref_squeeze %dma_start3A_165 : memref<1x128xi32, #tpu.memory_space<vmem>> -> memref<128xi32, #tpu.memory_space<vmem>>
      %dma_start3A_167 = arith.constant 0 : i32
      %dma_start3A_168 = arith.constant 0 : i32
      %dma_start3A_169 = tpu.memref_slice %arg23[%dma_start3A_167, %dma_start3A_168] : memref<10240x16xf32, #tpu.memory_space<vmem_shared>> -> memref<10240x16xf32, #tpu.memory_space<vmem_shared>>
      tpu.enqueue_indirect_dma source(%arg14 : memref<128x16xf32, #tpu.memory_space<vmem>>) target(%dma_start3A_169 : memref<10240x16xf32, #tpu.memory_space<vmem_shared>>) offsets(%dma_start3A_166 : memref<128xi32, #tpu.memory_space<vmem>>) semaphore(%arg30 : memref<!tpu.dma_semaphore, #tpu.memory_space<semaphore_mem>>) {add = true}
      %add3A_170 = arith.constant 3 : i32
      %add3A_171 = arith.addi %add3A_81, %add3A_170 : i32
      %add3A_172 = arith.constant 2 : i32
      %add3A_173 = arith.addi %add3A_171, %add3A_172 : i32
      %sub3A_174 = arith.constant 4 : i32
      %sub3A_175 = arith.subi %add3A_173, %sub3A_174 : i32
      %dma_wait3A_176 = arith.constant 0 : i32
      %dma_wait3A_177 = tpu.memref_slice %arg10[%add3A_171, %dma_wait3A_176] : memref<80x128xi32, #tpu.memory_space<vmem>> -> memref<1x128xi32, #tpu.memory_space<vmem>>
      %dma_wait3A_178 = tpu.memref_squeeze %dma_wait3A_177 : memref<1x128xi32, #tpu.memory_space<vmem>> -> memref<128xi32, #tpu.memory_space<vmem>>
      %dma_wait3A_179 = arith.constant 0 : i32
      %dma_wait3A_180 = arith.constant 0 : i32
      %dma_wait3A_181 = tpu.memref_slice %arg22[%dma_wait3A_179, %dma_wait3A_180] : memref<10240x16xf32, #tpu.memory_space<vmem_shared>> -> memref<10240x16xf32, #tpu.memory_space<vmem_shared>>
      tpu.wait_indirect_dma semaphore(%arg27 : memref<!tpu.dma_semaphore, #tpu.memory_space<semaphore_mem>>) src(%dma_wait3A_181 : memref<10240x16xf32, #tpu.memory_space<vmem_shared>>) dst(%arg15 : memref<128x16xf32, #tpu.memory_space<vmem>>)
      %ge3A_182 = arith.constant 0 : i32
      %ge3A_183 = arith.cmpi sge, %sub3A_175, %ge3A_182 : i32
      %convert_element_type3A_184 = arith.extui %ge3A_183 : i1 to i32
      %cond3A_185 = arith.constant 0 : i32
      %cond3A_186 = arith.cmpi ne, %convert_element_type3A_184, %cond3A_185 : i32
      scf.if %cond3A_186 {
        %dma_wait3A_200 = arith.constant 0 : i32
        %dma_wait3A_201 = tpu.memref_slice %arg11[%sub3A_175, %dma_wait3A_200] : memref<80x128xi32, #tpu.memory_space<vmem>> -> memref<1x128xi32, #tpu.memory_space<vmem>>
        %dma_wait3A_202 = tpu.memref_squeeze %dma_wait3A_201 : memref<1x128xi32, #tpu.memory_space<vmem>> -> memref<128xi32, #tpu.memory_space<vmem>>
        %dma_wait3A_203 = arith.constant 0 : i32
        %dma_wait3A_204 = arith.constant 0 : i32
        %dma_wait3A_205 = tpu.memref_slice %arg23[%dma_wait3A_203, %dma_wait3A_204] : memref<10240x16xf32, #tpu.memory_space<vmem_shared>> -> memref<10240x16xf32, #tpu.memory_space<vmem_shared>>
        tpu.wait_indirect_dma semaphore(%arg29 : memref<!tpu.dma_semaphore, #tpu.memory_space<semaphore_mem>>) src(%arg13 : memref<128x16xf32, #tpu.memory_space<vmem>>) dst(%dma_wait3A_205 : memref<10240x16xf32, #tpu.memory_space<vmem_shared>>)
      } else {
      }
      %add3A_187 = arith.constant 2 : i32
      %add3A_188 = arith.addi %add3A_171, %add3A_187 : i32
      %lt3A_189 = arith.constant 80 : i32
      %lt3A_190 = arith.cmpi slt, %add3A_188, %lt3A_189 : i32
      %convert_element_type3A_191 = arith.extui %lt3A_190 : i1 to i32
      %cond3A_192 = arith.constant 0 : i32
      %cond3A_193 = arith.cmpi ne, %convert_element_type3A_191, %cond3A_192 : i32
      scf.if %cond3A_193 {
        %add3A_200 = arith.constant 2 : i32
        %add3A_201 = arith.addi %add3A_171, %add3A_200 : i32
        %dma_start3A_202 = arith.constant 0 : i32
        %dma_start3A_203 = tpu.memref_slice %arg10[%add3A_201, %dma_start3A_202] : memref<80x128xi32, #tpu.memory_space<vmem>> -> memref<1x128xi32, #tpu.memory_space<vmem>>
        %dma_start3A_204 = tpu.memref_squeeze %dma_start3A_203 : memref<1x128xi32, #tpu.memory_space<vmem>> -> memref<128xi32, #tpu.memory_space<vmem>>
        %dma_start3A_205 = arith.constant 0 : i32
        %dma_start3A_206 = arith.constant 0 : i32
        %dma_start3A_207 = tpu.memref_slice %arg22[%dma_start3A_205, %dma_start3A_206] : memref<10240x16xf32, #tpu.memory_space<vmem_shared>> -> memref<10240x16xf32, #tpu.memory_space<vmem_shared>>
        tpu.enqueue_indirect_dma source(%dma_start3A_207 : memref<10240x16xf32, #tpu.memory_space<vmem_shared>>) target(%arg13 : memref<128x16xf32, #tpu.memory_space<vmem>>) offsets(%dma_start3A_204 : memref<128xi32, #tpu.memory_space<vmem>>) semaphore(%arg25 : memref<!tpu.dma_semaphore, #tpu.memory_space<semaphore_mem>>)
      } else {
      }
      %dma_start3A_194 = arith.constant 0 : i32
      %dma_start3A_195 = tpu.memref_slice %arg11[%add3A_171, %dma_start3A_194] : memref<80x128xi32, #tpu.memory_space<vmem>> -> memref<1x128xi32, #tpu.memory_space<vmem>>
      %dma_start3A_196 = tpu.memref_squeeze %dma_start3A_195 : memref<1x128xi32, #tpu.memory_space<vmem>> -> memref<128xi32, #tpu.memory_space<vmem>>
      %dma_start3A_197 = arith.constant 0 : i32
      %dma_start3A_198 = arith.constant 0 : i32
      %dma_start3A_199 = tpu.memref_slice %arg23[%dma_start3A_197, %dma_start3A_198] : memref<10240x16xf32, #tpu.memory_space<vmem_shared>> -> memref<10240x16xf32, #tpu.memory_space<vmem_shared>>
      tpu.enqueue_indirect_dma source(%arg15 : memref<128x16xf32, #tpu.memory_space<vmem>>) target(%dma_start3A_199 : memref<10240x16xf32, #tpu.memory_space<vmem_shared>>) offsets(%dma_start3A_196 : memref<128xi32, #tpu.memory_space<vmem>>) semaphore(%arg31 : memref<!tpu.dma_semaphore, #tpu.memory_space<semaphore_mem>>) {add = true}
    }
    %scan3A_59 = arith.constant 20 : i32
    %dma_wait3A = arith.constant 78 : i32
    %dma_wait3A_60 = arith.constant 0 : i32
    %dma_wait3A_61 = tpu.memref_slice %arg11[%dma_wait3A, %dma_wait3A_60] : memref<80x128xi32, #tpu.memory_space<vmem>> -> memref<1x128xi32, #tpu.memory_space<vmem>>
    %dma_wait3A_62 = tpu.memref_squeeze %dma_wait3A_61 : memref<1x128xi32, #tpu.memory_space<vmem>> -> memref<128xi32, #tpu.memory_space<vmem>>
    %dma_wait3A_63 = arith.constant 0 : i32
    %dma_wait3A_64 = arith.constant 0 : i32
    %dma_wait3A_65 = tpu.memref_slice %arg23[%dma_wait3A_63, %dma_wait3A_64] : memref<10240x16xf32, #tpu.memory_space<vmem_shared>> -> memref<10240x16xf32, #tpu.memory_space<vmem_shared>>
    tpu.wait_indirect_dma semaphore(%arg30 : memref<!tpu.dma_semaphore, #tpu.memory_space<semaphore_mem>>) src(%arg14 : memref<128x16xf32, #tpu.memory_space<vmem>>) dst(%dma_wait3A_65 : memref<10240x16xf32, #tpu.memory_space<vmem_shared>>)
    %dma_wait3A_66 = arith.constant 79 : i32
    %dma_wait3A_67 = arith.constant 0 : i32
    %dma_wait3A_68 = tpu.memref_slice %arg11[%dma_wait3A_66, %dma_wait3A_67] : memref<80x128xi32, #tpu.memory_space<vmem>> -> memref<1x128xi32, #tpu.memory_space<vmem>>
    %dma_wait3A_69 = tpu.memref_squeeze %dma_wait3A_68 : memref<1x128xi32, #tpu.memory_space<vmem>> -> memref<128xi32, #tpu.memory_space<vmem>>
    %dma_wait3A_70 = arith.constant 0 : i32
    %dma_wait3A_71 = arith.constant 0 : i32
    %dma_wait3A_72 = tpu.memref_slice %arg23[%dma_wait3A_70, %dma_wait3A_71] : memref<10240x16xf32, #tpu.memory_space<vmem_shared>> -> memref<10240x16xf32, #tpu.memory_space<vmem_shared>>
    tpu.wait_indirect_dma semaphore(%arg31 : memref<!tpu.dma_semaphore, #tpu.memory_space<semaphore_mem>>) src(%arg15 : memref<128x16xf32, #tpu.memory_space<vmem>>) dst(%dma_wait3A_72 : memref<10240x16xf32, #tpu.memory_space<vmem_shared>>)
    %barrier3A_73 = arith.constant 0 : index
    tpu.barrier barrier_id(%barrier3A_73)
    %mul3A_74 = arith.constant 10240 : i32
    %mul3A_75 = arith.muli %arg0, %mul3A_74 : i32
    %add3A_76 = arith.addi %mul3A_75, %mul3A_2 : i32
    "tpu.region"() ({
      %run_scoped3A = tpu.sem_alloc : memref<!tpu.dma_semaphore, #tpu.memory_space<semaphore_mem>>
      %dma_start3A_77 = arith.constant 0 : i32
      %dma_start3A_78 = tpu.memref_slice %arg8[%add3A_76, %dma_start3A_77] : memref<20480x16xf32, #tpu.memory_space<hbm>> -> memref<640x16xf32, #tpu.memory_space<hbm>>
      %dma_start3A_79 = arith.constant 0 : i32
      %dma_start3A_80 = tpu.memref_slice %arg23[%mul3A_2, %dma_start3A_79] : memref<10240x16xf32, #tpu.memory_space<vmem_shared>> -> memref<640x16xf32, #tpu.memory_space<vmem_shared>>
      tpu.enqueue_dma source(%dma_start3A_80 : memref<640x16xf32, #tpu.memory_space<vmem_shared>>) target(%dma_start3A_78 : memref<640x16xf32, #tpu.memory_space<hbm>>) target_semaphore(%run_scoped3A : memref<!tpu.dma_semaphore, #tpu.memory_space<semaphore_mem>>)
      %dma_wait3A_81 = arith.constant 0 : i32
      %dma_wait3A_82 = tpu.memref_slice %arg8[%add3A_76, %dma_wait3A_81] : memref<20480x16xf32, #tpu.memory_space<hbm>> -> memref<640x16xf32, #tpu.memory_space<hbm>>
      %dma_wait3A_83 = arith.constant 0 : i32
      %dma_wait3A_84 = tpu.memref_slice %arg23[%mul3A_2, %dma_wait3A_83] : memref<10240x16xf32, #tpu.memory_space<vmem_shared>> -> memref<640x16xf32, #tpu.memory_space<vmem_shared>>
      tpu.wait_dma2 semaphore(%run_scoped3A : memref<!tpu.dma_semaphore, #tpu.memory_space<semaphore_mem>>) src(%dma_wait3A_84 : memref<640x16xf32, #tpu.memory_space<vmem_shared>>) dst(%dma_wait3A_82 : memref<640x16xf32, #tpu.memory_space<hbm>>)
      tpu.yield
    }) : () -> ()
    return
  }
}

module attributes {stable_mosaic.version = 14 : i64} {
  func.func @_l1_proj_body(%arg0: memref<10000x128xf32, #tpu.memory_space<vmem>>, %arg1: memref<128x16xf32, #tpu.memory_space<vmem>>, %arg2: memref<128x16xf32, #tpu.memory_space<vmem>>, %arg3: memref<1x16xf32, #tpu.memory_space<vmem>>, %arg4: memref<10240x16xf32, #tpu.memory_space<vmem>>, %arg5: memref<10240x16xf32, #tpu.memory_space<vmem>>) attributes {dimension_semantics = [], scalar_prefetch = 0 : i64, scratch_operands = 0 : i64, tpu.core_type = #tpu.core_type<tc>} {
    %get3A = arith.constant 0 : index
    %get3A_0 = arith.constant 0 : index
    %get3A_1 = vector.load %arg0[%get3A, %get3A_0] : memref<10000x128xf32, #tpu.memory_space<vmem>>, vector<10000x128xf32>
    %get3A_2 = arith.constant 0 : index
    %get3A_3 = arith.constant 0 : index
    %get3A_4 = vector.load %arg1[%get3A_2, %get3A_3] : memref<128x16xf32, #tpu.memory_space<vmem>>, vector<128x16xf32>
    %dot_general3A = arith.constant dense<0.000000e+00> : vector<10000x16xf32>
    %dot_general3A_5 = tpu.matmul %get3A_1, %get3A_4, %dot_general3A {dimension_numbers = #tpu.dot_dimension_numbers<[1], [0], [0], [1], [0, 0, 1, 1], [], []>, transpose_lhs_hint = false} : vector<10000x128xf32>, vector<128x16xf32>, vector<10000x16xf32> -> vector<10000x16xf32>
    %swap3A = arith.constant 0 : index
    %swap3A_6 = arith.constant 0 : index
    %swap3A_7 = vector.load %arg4[%swap3A, %swap3A_6] : memref<10240x16xf32, #tpu.memory_space<vmem>>, vector<10000x16xf32>
    tpu.vector_store %arg4[%swap3A, %swap3A_6], %dot_general3A_5 {strides = array<i32>} : memref<10240x16xf32, #tpu.memory_space<vmem>>, vector<10000x16xf32>,
    %broadcast_in_dim3A = arith.constant 0.000000e+00 : f32
    %broadcast_in_dim3A_8 = vector.broadcast %broadcast_in_dim3A : f32 to vector<240x16xf32>
    %swap3A_9 = arith.constant 10000 : index
    %swap3A_10 = arith.constant 0 : index
    %swap3A_11 = vector.load %arg4[%swap3A_9, %swap3A_10] : memref<10240x16xf32, #tpu.memory_space<vmem>>, vector<240x16xf32>
    tpu.vector_store %arg4[%swap3A_9, %swap3A_10], %broadcast_in_dim3A_8 {strides = array<i32>} : memref<10240x16xf32, #tpu.memory_space<vmem>>, vector<240x16xf32>,
    %get3A_12 = arith.constant 0 : index
    %get3A_13 = arith.constant 0 : index
    %get3A_14 = vector.load %arg2[%get3A_12, %get3A_13] : memref<128x16xf32, #tpu.memory_space<vmem>>, vector<128x16xf32>
    %dot_general3A_15 = arith.constant dense<0.000000e+00> : vector<10000x16xf32>
    %dot_general3A_16 = tpu.matmul %get3A_1, %get3A_14, %dot_general3A_15 {dimension_numbers = #tpu.dot_dimension_numbers<[1], [0], [0], [1], [0, 0, 1, 1], [], []>, transpose_lhs_hint = false} : vector<10000x128xf32>, vector<128x16xf32>, vector<10000x16xf32> -> vector<10000x16xf32>
    %get3A_17 = arith.constant 0 : index
    %get3A_18 = arith.constant 0 : index
    %get3A_19 = vector.load %arg3[%get3A_17, %get3A_18] : memref<1x16xf32, #tpu.memory_space<vmem>>, vector<1x16xf32>
    %add3A = vector.broadcast %get3A_19 : vector<1x16xf32> to vector<10000x16xf32>
    %add3A_20 = arith.addf %dot_general3A_16, %add3A : vector<10000x16xf32>
    %swap3A_21 = arith.constant 0 : index
    %swap3A_22 = arith.constant 0 : index
    %swap3A_23 = vector.load %arg5[%swap3A_21, %swap3A_22] : memref<10240x16xf32, #tpu.memory_space<vmem>>, vector<10000x16xf32>
    tpu.vector_store %arg5[%swap3A_21, %swap3A_22], %add3A_20 {strides = array<i32>} : memref<10240x16xf32, #tpu.memory_space<vmem>>, vector<10000x16xf32>,
    %broadcast_in_dim3A_24 = arith.constant 0.000000e+00 : f32
    %broadcast_in_dim3A_25 = vector.broadcast %broadcast_in_dim3A_24 : f32 to vector<240x16xf32>
    %swap3A_26 = arith.constant 10000 : index
    %swap3A_27 = arith.constant 0 : index
    %swap3A_28 = vector.load %arg5[%swap3A_26, %swap3A_27] : memref<10240x16xf32, #tpu.memory_space<vmem>>, vector<240x16xf32>
    tpu.vector_store %arg5[%swap3A_26, %swap3A_27], %broadcast_in_dim3A_25 {strides = array<i32>} : memref<10240x16xf32, #tpu.memory_space<vmem>>, vector<240x16xf32>,
    return
  }
}

module attributes {stable_mosaic.version = 14 : i64} {
  func.func @_l2_out_body(%arg0: memref<10240x16xf32, #tpu.memory_space<vmem>>, %arg1: memref<20480x16xf32, #tpu.memory_space<vmem>>, %arg2: memref<20480x16xf32, #tpu.memory_space<vmem>>, %arg3: memref<16x40xf32, #tpu.memory_space<vmem>>, %arg4: memref<16x40xf32, #tpu.memory_space<vmem>>, %arg5: memref<1x40xf32, #tpu.memory_space<vmem>>, %arg6: memref<10000x40xf32, #tpu.memory_space<vmem>>) attributes {dimension_semantics = [], scalar_prefetch = 0 : i64, scratch_operands = 0 : i64, tpu.core_type = #tpu.core_type<tc>} {
    %get3A = arith.constant 0 : index
    %get3A_0 = arith.constant 0 : index
    %get3A_1 = vector.load %arg2[%get3A, %get3A_0] : memref<20480x16xf32, #tpu.memory_space<vmem>>, vector<10000x16xf32>
    %get3A_2 = arith.constant 10240 : index
    %get3A_3 = arith.constant 0 : index
    %get3A_4 = vector.load %arg2[%get3A_2, %get3A_3] : memref<20480x16xf32, #tpu.memory_space<vmem>>, vector<10000x16xf32>
    %add3A = arith.addf %get3A_1, %get3A_4 : vector<10000x16xf32>
    %max3A = arith.constant 1.000000e+00 : f32
    %max3A_5 = vector.broadcast %max3A : f32 to vector<10000x16xf32>
    %max3A_6 = arith.maximumf %add3A, %max3A_5 : vector<10000x16xf32>
    %div3A = arith.constant 1.000000e+00 : f32
    %div3A_7 = vector.broadcast %div3A : f32 to vector<10000x16xf32>
    %div3A_8 = arith.divf %div3A_7, %max3A_6 : vector<10000x16xf32>
    %get3A_9 = arith.constant 0 : index
    %get3A_10 = arith.constant 0 : index
    %get3A_11 = vector.load %arg1[%get3A_9, %get3A_10] : memref<20480x16xf32, #tpu.memory_space<vmem>>, vector<10000x16xf32>
    %get3A_12 = arith.constant 10240 : index
    %get3A_13 = arith.constant 0 : index
    %get3A_14 = vector.load %arg1[%get3A_12, %get3A_13] : memref<20480x16xf32, #tpu.memory_space<vmem>>, vector<10000x16xf32>
    %add3A_15 = arith.addf %get3A_11, %get3A_14 : vector<10000x16xf32>
    %mul3A = arith.mulf %add3A_15, %div3A_8 : vector<10000x16xf32>
    %get3A_16 = arith.constant 0 : index
    %get3A_17 = arith.constant 0 : index
    %get3A_18 = vector.load %arg0[%get3A_16, %get3A_17] : memref<10240x16xf32, #tpu.memory_space<vmem>>, vector<10000x16xf32>
    %get3A_19 = arith.constant 0 : index
    %get3A_20 = arith.constant 0 : index
    %get3A_21 = vector.load %arg3[%get3A_19, %get3A_20] : memref<16x40xf32, #tpu.memory_space<vmem>>, vector<16x40xf32>
    %dot_general3A = arith.constant dense<0.000000e+00> : vector<10000x40xf32>
    %dot_general3A_22 = tpu.matmul %get3A_18, %get3A_21, %dot_general3A {dimension_numbers = #tpu.dot_dimension_numbers<[1], [0], [0], [1], [0, 0, 1, 1], [], []>, transpose_lhs_hint = false} : vector<10000x16xf32>, vector<16x40xf32>, vector<10000x40xf32> -> vector<10000x40xf32>
    %get3A_23 = arith.constant 0 : index
    %get3A_24 = arith.constant 0 : index
    %get3A_25 = vector.load %arg4[%get3A_23, %get3A_24] : memref<16x40xf32, #tpu.memory_space<vmem>>, vector<16x40xf32>
    %dot_general3A_26 = arith.constant dense<0.000000e+00> : vector<10000x40xf32>
    %dot_general3A_27 = tpu.matmul %mul3A, %get3A_25, %dot_general3A_26 {dimension_numbers = #tpu.dot_dimension_numbers<[1], [0], [0], [1], [0, 0, 1, 1], [], []>, transpose_lhs_hint = false} : vector<10000x16xf32>, vector<16x40xf32>, vector<10000x40xf32> -> vector<10000x40xf32>
    %add3A_28 = arith.addf %dot_general3A_22, %dot_general3A_27 : vector<10000x40xf32>
    %get3A_29 = arith.constant 0 : index
    %get3A_30 = arith.constant 0 : index
    %get3A_31 = vector.load %arg5[%get3A_29, %get3A_30] : memref<1x40xf32, #tpu.memory_space<vmem>>, vector<1x40xf32>
    %add3A_32 = vector.broadcast %get3A_31 : vector<1x40xf32> to vector<10000x40xf32>
    %add3A_33 = arith.addf %add3A_28, %add3A_32 : vector<10000x40xf32>
    %reduce_max3A = arith.constant dense<0xFF800000> : vector<10000xf32>
    %reduce_max3A_34 = vector.multi_reduction <maximumf>, %add3A_33, %reduce_max3A [1] : vector<10000x40xf32> to vector<10000xf32>
    %broadcast_in_dim3A = vector.shape_cast %reduce_max3A_34 : vector<10000xf32> to vector<10000x1xf32>
    %sub3A = vector.broadcast %broadcast_in_dim3A : vector<10000x1xf32> to vector<10000x40xf32>
    %sub3A_35 = arith.subf %add3A_33, %sub3A : vector<10000x40xf32>
    %exp3A = math.exp %sub3A_35 : vector<10000x40xf32>
    %reduce_sum3A = arith.constant dense<0.000000e+00> : vector<10000xf32>
    %reduce_sum3A_36 = vector.multi_reduction <add>, %exp3A, %reduce_sum3A [1] : vector<10000x40xf32> to vector<10000xf32>
    %broadcast_in_dim3A_37 = vector.shape_cast %reduce_sum3A_36 : vector<10000xf32> to vector<10000x1xf32>
    %log3A = math.log %broadcast_in_dim3A_37 : vector<10000x1xf32>
    %sub3A_38 = vector.broadcast %log3A : vector<10000x1xf32> to vector<10000x40xf32>
    %sub3A_39 = arith.subf %sub3A_35, %sub3A_38 : vector<10000x40xf32>
    %swap3A = arith.constant 0 : index
    %swap3A_40 = arith.constant 0 : index
    %swap3A_41 = vector.load %arg6[%swap3A, %swap3A_40] : memref<10000x40xf32, #tpu.memory_space<vmem>>, vector<10000x40xf32>
    tpu.vector_store %arg6[%swap3A, %swap3A_40], %sub3A_39 {strides = array<i32>} : memref<10000x40xf32, #tpu.memory_space<vmem>>, vector<10000x40xf32>,
    return
  }
}

</mosaic_0001>

<sc_bundles>
// kernel: kernel.6.cloned.1.call-start
scs
__scs_entry_jumppad:
0x0: {  	(pc) =	sbr.rel $0x88, $3  }
0x1: {  	(tag) =	ssettag $0x0;
	lr =	simm.s32 $0x1  }
0x2: {  	[smem:$0x3F99] =	sst lr;
	_ =	strace $0xD0000000  }
0x3: {  	_ = 	snop  }
0x4: {  	_ = 	snop  }
0x5: {  	_ = 	snop  }
0x6: {  	_ = 	snop  }
0x7: {  	_ = 	snop  }
__scs_overlays_trampoline_lowered:
0x8: {  	[smem:$0x3FA8] =	sst s0  }
0x9: {  	[smem:$0x3FA9] =	sst s1  }
0xa: {  	[smem:$0x3FAA] =	sst s2  }
0xb: {  	[smem:$0x3FAB] =	sst s3  }
0xc: {  	[smem:$0x3FAC] =	sst s4  }
0xd: {  	[smem:$0x3FAD] =	sst s5  }
0xe: {  	[smem:$0x3FAE] =	sst s6  }
0xf: {  	[smem:$0x3FAF] =	sst s7  }
0x10: {  	[smem:$0x3FB0] =	sst s8  }
0x11: {  	[smem:$0x3FB1] =	sst s9;
	s0 =	simm.s32 @!p0 $0x0  }
0x12: {  	s1 =	sld [smem:$0x3F97];
	s0 =	simm.s32 @p0 $0x1  }
0x13: {  	[smem:$0x3FB2] =	sst s0;
	s0 =	simm.s32 @!p1 $0x0  }
0x14: {  	s2 =	sld [smem:$0x3F96];
	s0 =	simm.s32 @p1 $0x1  }
0x15: {  	[smem:$0x3FB3] =	sst s0;
	s0 =	simm.s32 @!p2 $0x0  }
0x16: {  	s3 =	sld [smem:$0x3FDB];
	s0 =	simm.s32 @p2 $0x1  }
0x17: {  	s4 =	simm.s32 $0x1BF5;
	[smem:$0x3FB5] =	sst s0  }
0x18: {  	s0 =	sld [smem:$0x3F98];
	_ =	swait.ge [sflag:s4], $0x0  }
0x19: {  	s7 =	sld [smem:$0x3F99]  }
0x1a: {  	s8 =	sadd.s32 $0xFFFFE003, lr  }
0x1b: {  	s9 =	sadd.s32 $0xFFFFFEF7, lr;
	s5 =	simm.s32 $0xFFFFFFFF;
	p2 =	slt.u32 s8, $0xFFFFF086  }
0x1c: {  	p1 =	slt.u32 s9, $0xF7A;
	s5 =	simm.s32 @!p2 $0x0  }
0x1d: {  	s5 =	simm.s32 @p1 $0x1;
	p0 =	seq.s32 s7, s2  }
0x1e: {  	s7 =	smul.u32 @!p0 $0xF7A, s2;
	p2 =	seq.s32 @!p0 s5, $0x0  }
0x1f: {  	s9 =	smul.u32 $0xF7A, s1;
	s8 =	simm.s32 @!p0 $0x1BF5;
	p2 =	por !p2, p0  }
0x20: {  	[sflag:s8] =	ssyncset.s32 @!p0 $0xFFFFF086;
	s6 =	sadd.s32 @!p0 s3, s7;
	s7 =	simm.s32 @!p0 $0x108  }
0x21: {  	s3 =	sadd.s32 s3, s9;
	s6 =	sadd.s32 @!p0 $0x88, s6;
	s7 =	simm.s32 @p2 $0x1082  }
0x22: {  	[simem:s7], [sflag:s8] =	dma.local @!p0 [hbm:s6], $0xF7A  }
0x23: {  	s9 =	sor.u32 $0xD0000000, s2;
	s6 =	simm.s32 $0x108;
	_ =	swait.ge @!p0 [sflag:s8], $0x0  }
0x24: {  	s3 =	sadd.s32 $0x88, s3;
	s6 =	simm.s32 @!p1 $0x1082;
	[sflag:s4] =	ssyncset.s32 $0xFFFFF086  }
0x25: {  	[simem:s6], [sflag:s4] =	dma.local [hbm:s3], $0xF7A  }
0x26: {  	[smem:$0x3F99] =	sst s1;
	(tag) =	ssettag s2;
	_ =	strace s9  }
0x27: {  	s1 =	sld [smem:$0x3FA9]  }
0x28: {  	s2 =	sld [smem:$0x3FAA]  }
0x29: {  	s4 =	sld [smem:$0x3FAC]  }
0x2a: {  	p0 =	seq.s32 s5, $0x0;
	s5 =	sld [smem:$0x3FAD]  }
0x2b: {  	s6 =	sld [smem:$0x3FAE]  }
0x2c: {  	s7 =	sld [smem:$0x3FAF]  }
0x2d: {  	s3 =	simm.s32 $0x108;
	s8 =	sld [smem:$0x3FB0]  }
0x2e: {  	s3 =	simm.s32 @!p0 $0x1082;
	s9 =	sld [smem:$0x3FB1]  }
0x2f: {  	lr =	sadd.s32 s0, s3;
	s0 =	sld [smem:$0x3FA8]  }
0x30: {  	s3 =	sld [smem:$0x3FAB]  }
0x31: {  	[smem:$0x3FB4] =	sst s10  }
0x32: {  	s10 =	sld [smem:$0x3FB2];
	_ =	sdelay $0x3  }
0x33: {  	p0 =	seq.s32 s10, $0x1;
	s10 =	sld [smem:$0x3FB4];
	_ =	sdelay $0x3  }
0x34: {  	[smem:$0x3FB4] =	sst s10  }
0x35: {  	s10 =	sld [smem:$0x3FB3];
	_ =	sdelay $0x3  }
0x36: {  	p1 =	seq.s32 s10, $0x1;
	s10 =	sld [smem:$0x3FB4];
	_ =	sdelay $0x3  }
0x37: {  	[smem:$0x3FB4] =	sst s10  }
0x38: {  	s10 =	sld [smem:$0x3FB5]  }
0x39: {  	_ = 	snop;
	(pc) =	sbr.ind lr, $3  }
0x3a: {  	_ = 	snop  }
0x3b: {  	_ = 	snop  }
0x3c: {  	p2 =	seq.s32 s10, $0x1;
	s10 =	sld [smem:$0x3FB4]  }
0x3d: {  	_ =	shalt  }
0x3e: {  	_ =	shalt  }
0x3f: {  	_ =	shalt  }
0x40: {  	_ =	shalt  }
0x41: {  	_ =	shalt  }
0x42: {  	_ =	shalt  }
0x43: {  	_ =	shalt  }
0x44: {  	_ =	shalt  }
0x45: {  	_ =	shalt  }
0x46: {  	_ =	shalt  }
0x47: {  	_ =	shalt  }
0x48: {  	_ =	shalt  }
0x49: {  	_ =	shalt  }
0x4a: {  	_ =	shalt  }
0x4b: {  	_ =	shalt  }
0x4c: {  	_ =	shalt  }
0x4d: {  	_ =	shalt  }
0x4e: {  	_ =	shalt  }
0x4f: {  	_ =	shalt  }
0x50: {  	_ =	shalt  }
0x51: {  	_ =	shalt  }
0x52: {  	_ =	shalt  }
0x53: {  	_ =	shalt  }
0x54: {  	_ =	shalt  }
0x55: {  	_ =	shalt  }
0x56: {  	_ =	shalt  }
0x57: {  	_ =	shalt  }
0x58: {  	_ =	shalt  }
0x59: {  	_ =	shalt  }
0x5a: {  	_ =	shalt  }
0x5b: {  	_ =	shalt  }
0x5c: {  	_ =	shalt  }
0x5d: {  	_ =	shalt  }
0x5e: {  	_ =	shalt  }
0x5f: {  	_ =	shalt  }
0x60: {  	_ =	shalt  }
0x61: {  	_ =	shalt  }
0x62: {  	_ =	shalt  }
0x63: {  	_ =	shalt  }
0x64: {  	_ =	shalt  }
0x65: {  	_ =	shalt  }
0x66: {  	_ =	shalt  }
0x67: {  	_ =	shalt  }
0x68: {  	_ =	shalt  }
0x69: {  	_ =	shalt  }
0x6a: {  	_ =	shalt  }
0x6b: {  	_ =	shalt  }
0x6c: {  	_ =	shalt  }
0x6d: {  	_ =	shalt  }
0x6e: {  	_ =	shalt  }
0x6f: {  	_ =	shalt  }
0x70: {  	_ =	shalt  }
0x71: {  	_ =	shalt  }
0x72: {  	_ =	shalt  }
0x73: {  	_ =	shalt  }
0x74: {  	_ =	shalt  }
0x75: {  	_ =	shalt  }
0x76: {  	_ =	shalt  }
0x77: {  	_ =	shalt  }
0x78: {  	_ =	shalt  }
0x79: {  	_ =	shalt  }
0x7a: {  	_ =	shalt  }
0x7b: {  	_ =	shalt  }
0x7c: {  	_ =	shalt  }
0x7d: {  	_ =	shalt  }
0x7e: {  	_ =	shalt  }
0x7f: {  	_ =	shalt  }
0x80: {  	_ =	shalt  }
0x81: {  	_ =	shalt  }
0x82: {  	_ =	shalt  }
0x83: {  	_ =	shalt  }
0x84: {  	_ =	shalt  }
0x85: {  	_ =	shalt  }
0x86: {  	_ =	shalt  }
0x87: {  	_ =	shalt  }
.Lfunc_end0:
.L_simem_size_0:
called_computation_lowered:
.L_overlay_start_0:
0x88: {  	s2 =	sld [smem:$0x3FD9]  }
0x89: {  	s3 =	sld [smem:$0x3FFE];
	_ =	sdelay $0x1  }
0x8a: {  	s1 =	srdreg.scid  }
0x8b: {  	s0 =	sand.u32 $0x1, s1  }
0x8c: {  	s17 =	sshll.u32 s0, $0xA;
	s2 =	sadd.s32 s3, s2  }
0x8d: {  	s2 =	sadd.s32 s2, s17  }
0x8e: {  	[smem:$0x3FC0] =	sst s2  }
0x8f: {  	_ = 	snop  }
0x90: {  	s2 =	sld [smem:$0x3FD0];
	(tm) =	ssettm $0x1  }
0x91: {  	s18 =	sld [smem:$0x3FFB];
	_ =	sdelay $0x3  }
0x92: {  	_ =	strace s18  }
0x93: {  	s3 =	sld [smem:$0x3FFC];
	_ =	sdelay $0x3  }
0x94: {  	_ =	strace s3  }
0x95: {  	s3 =	sld [smem:$0x3FFD];
	_ =	sdelay $0x3  }
0x96: {  	_ =	strace s3  }
0x97: {  	_ =	strace $0x8FFFFFFF  }
0x98: {  	s19 =	sld [smem:$0x3FDB];
	_ =	sdelay $0x1  }
0x99: {  	s4 =	simm.s32 $_scs_section_size  }
0x9a: {  	s5 =	simm.s32 $_size__tile_overlayer_lowered;
	s6 =	simm.s32 $_tile_overlayer_lowered  }
0x9b: {  	s22 =	simm.s32 $0x1BFF;
	s21 =	sshll.u32 s6, $0x1;
	s3 =	sadd.s32 s4, s19  }
0x9c: {  	s7 =	simm.s32 $0x0;
	s20 =	sshll.u32 s5, $0x1;
	s5 =	sadd.s32 s21, s3  }
0x9d: {  	[timem:s7], [sflag:s22] =	dma.local [hbm:s5], s20  }
0x9e: {  	_ =	swait.ge [sflag:s22], s20  }
0x9f: {  	s4 =	ssub.s32 $0x0, s20;
	[sflag:s22] =	ssyncset.done $0x0  }
0xa0: {  	[sflag:s22] =	ssyncadd.s32 s4;
	_ =	sdelay $0x1  }
0xa1: {  	s23 =	simm.s32 $0x1B8B  }
0xa2: {  	_ =	swait.ge [sflag:s23], $0x1  }
0xa3: {  	[sflag:s23] =	ssyncset.done $0x0  }
0xa4: {  	s25 =	simm.s32 $0x1B8E;
	s24 =	sld [smem:$0x3FFE];
	[sflag:s23] =	ssyncadd.s32 $0xFFFFFFFF  }
0xa5: {  	s26 =	simm.s32 $execute0_lowered;
	[smem:$0x3FD2] =	sst s25  }
0xa6: {  	s5 =	sshll.u32 s26, $0x1;
	_ =	strace $0x80000046;
	[dreg:$0x1] =	wrdreg $0xFFFFFFFF  }
0xa7: {  	s28 =	simm.s32 $_size_execute0_lowered;
	s3 =	sadd.s32 s3, s5;
	[dreg:$0x0] =	wrdreg $0x0  }
0xa8: {  	s5 =	sshll.u32 s28, $0x1;
	[dreg:$0x2] =	wrdreg s3  }
0xa9: {  	[dreg:$0x3] =	wrdreg s5  }
0xaa: {  	[dreg:$0x4] =	wrdreg $0xC0  }
0xab: {  	_ =	task [dreg:s7], $0x5FFFF  }
0xac: {  	[dreg:$0x1] =	wrdreg $0xFFFFFFFF  }
0xad: {  	[dreg:$0x0] =	wrdreg $0x60  }
0xae: {  	[dreg:$0x2] =	wrdreg s2  }
0xaf: {  	[dreg:$0x3] =	wrdreg s24  }
0xb0: {  	[dreg:$0x4] =	wrdreg $0xA0000  }
0xb1: {  	[dreg:$0x5] =	wrdreg $0x78000  }
0xb2: {  	[dreg:$0x6] =	wrdreg $0xD0000  }
0xb3: {  	[dreg:$0x7] =	wrdreg $0x9  }
0xb4: {  	_ =	task.clear_ibuf [dreg:s7], $0x8FFFF;
	_ =	strace $0x90000046  }
0xb5: {  	s29 =	simm.s32 $0x9;
	_ =	strace $0x80000048  }
0xb6: {  	_ =	swait.ge [sflag:s29], $0x1  }
0xb7: {  	[sflag:s29] =	ssyncadd.s32 $0xFFFFFFFF  }
0xb8: {  	_ =	strace $0x90000048  }
0xb9: {  	_ =	sfence  }
0xba: {  	s30 =	sld [smem:$0x0];
	_ =	sdelay $0x2  }
0xbb: {  	s31 =	sshll.u32 s1, $0xD;
	s1 =	sshrl.u32 s1, $0x2  }
0xbc: {  	s3 =	sand.u32 $0x4000, s31;
	s1 =	sadd.s32 s1, s30  }
0xbd: {  	s0 =	sor.u32 s3, s0;
	s1 =	sshll.u32 s1, $0x11  }
0xbe: {  	s0 =	sor.u32 s1, s0  }
0xbf: {  	s0 =	sadd.s32 $0x8F2B, s0  }
0xc0: {  	[sflag:s0] =	ssyncadd.remote.s32 $0x1  }
0xc1: {  	_ =	sfence.sel $0xFFFF  }
0xc2: {  	[dreg:$0x0] =	wrdreg $0xFFFFFFFF;
	(pc) =	sbr.abs _section_cstart, $3  }
0xc3: {  	[dreg:$0x1] =	wrdreg $0xFFFFFFFF  }
0xc4: {  	_ =	task.clear_ibuf [dreg:s7], $0x2FFFF;
	_ =	strace $0x9FFFFFFF  }
0xc5: {  	(tm) =	ssettm $0x7FFFFFFF  }
tec
execute0_lowered:
.L_overlay_start_1:
0x0: {  	(tag) =	ssettag $0x1  }
0x1: {  	s1 =	rddreg [dreg:$0x0]  }
0x2: {  	s0 =	srdreg.scid;
	s6 =	rddreg [dreg:$0x1]  }
0x3: {  	s9 =	stileid.u32;
	s2 =	rddreg [dreg:$0x2];
	s5 =	simm.s32 $0x0  }
0x4: {  	s28 =	simm.s32 $0x7000;
	s29 =	simm.s32 $0xC800;
	s30 =	simm.s32 $0x80  }
0x5: {  	s31 =	simm.s32 $0x5000;
	s0 =	sand.u32 $0x1, s0;
	s8 =	smul.u32 $0x2800, s9  }
0x6: {  	[smem:$0x7FF] =	sst s5;
	s25 =	sadd.s32 $0x11000, s6;
	s26 =	sadd.s32 $0x10E00, s6  }
0x7: {  	s3 =	sshll.u32 s0, $0x4;
	s10 =	smul.u32 $0x2800, s0;
	s0 =	ssub.s32 $0x2, s0  }
0x8: {  	s4 =	sor.u32 s9, s3;
	s3 =	rddreg [dreg:$0x3];
	s9 =	smul.u32 $0x280, s9  }
0x9: {  	s11 =	sshrl.u32 s8, $0x3;
	s14 =	sadd.s32 s8, s2;
	s16 =	sadd.s32 $0x800, s8  }
0xa: {  	s17 =	sadd.s32 $0x1000, s8;
	s7 =	smul.u32 $0x500, s4;
	s4 =	rddreg [dreg:$0x4]  }
0xb: {  	s21 =	sadd.s32 $0x1800, s8;
	_ =	strace $0x80000047;
	[dreg:$0x6] =	wrdreg s25  }
0xc: {  	s11 =	sadd.s32 s11, s6;
	[dreg:$0x7] =	wrdreg s26;
	s18 =	sadd.s32 s16, s3  }
0xd: {  	s19 =	sadd.s32 s17, s3;
	s22 =	sadd.s32 s21, s3;
	[dreg:$0xb] =	wrdreg s18  }
0xe: {  	s26 =	sshrl.u32 s14, $0x3;
	s9 =	sadd.s32 s9, s10;
	[dreg:$0xd] =	wrdreg s19  }
0xf: {  	s10 =	sshrl.u32 s0, $0x1;
	s15 =	sadd.s32 $0xBE00, s11;
	[dreg:$0xf] =	wrdreg s22  }
0x10: {  	s11 =	sadd.s32 s8, s3;
	s20 =	sadd.s32 s17, s4;
	[dreg:$0x16] =	wrdreg s26  }
0x11: {  	s26 =	simm.s32 $0x2800;
	s17 =	simm.s32 $0x2980;
	s18 =	simm.s32 $0x7  }
0x12: {  	s19 =	simm.s32 $0x8;
	s12 =	sadd.s32 s7, s6;
	s9 =	sshll.u32 s9, $0x1  }
0x13: {  	s0 =	ssub.s32 s0, s10;
	s1 =	sadd.s32 s1, s7;
	[dreg:$0xa] =	wrdreg s15  }
0x14: {  	s7 =	sadd.s32 s16, s4;
	[dreg:$0xe] =	wrdreg s20;
	s10 =	simm.s32 $0x3  }
0x15: {  	s15 =	simm.s32 $0x4;
	s16 =	simm.s32 $0x6;
	s20 =	simm.s32 $0x0  }
0x16: {  	s6 =	sadd.s32 s9, s6;
	[dreg:$0x8] =	wrdreg s1;
	s13 =	sadd.s32 $0x1E00, s12  }
0x17: {  	s12 =	sadd.s32 s8, s4;
	[dreg:$0xc] =	wrdreg s7;
	s8 =	sadd.s32 $0x2000, s8  }
0x18: {  	s7 =	sadd.s32 s21, s4;
	s0 =	smax.u32 s0, $0x1;
	[dreg:$0x9] =	wrdreg s13  }
0x19: {  	s1 =	simm.s32 $0x5800;
	[dreg:$0x10] =	wrdreg s7;
	s23 =	sadd.s32 s8, s3  }
.Ltmp0:
0x1a: {  	s24 =	sadd.s32 s8, s4;
	[dreg:$0x15] =	wrdreg s0;
	(pc) =	sbr.rel .LBB2_1-.Ltmp0, $4  }
0x1b: {  	s25 =	sadd.s32 $0x11200, s6;
	s6 =	sadd.s32 $0x1B200, s6;
	[dreg:$0x11] =	wrdreg s23  }
0x1c: {  	s0 =	simm.s32 $0x1;
	s7 =	simm.s32 $0x2;
	[dreg:$0x12] =	wrdreg s24  }
0x1d: {  	s8 =	simm.s32 $0x6800;
	s13 =	simm.s32 $0x5;
	[dreg:$0x13] =	wrdreg s25  }
0x1e: {  	[dreg:$0x14] =	wrdreg s6;
	s24 =	simm.s32 $0x9;
	s6 =	simm.s32 $0x6000  }
.LBB2_4:
0x1f: {  	[spmem:s3] =	stream.indirect.scatter.add.f32 [tilespmem:s8], [sflag:$0x8], $0x10, s25, s30, $0xb8;
	[tilespmem:$0xF800] =	vst v63  }
0x20: {  	_ = 	snop  }
0x21: {  	[spmem:s4] =	stream.indirect.scatter.add.f32 [tilespmem:s29], [sflag:$0x8], $0x10, s25, s30, $0xb8;
	[tilespmem:$0xF800] =	vst v63  }
0x22: {  	_ =	swait.ge [sflag:s18], $0x800  }
0x23: {  	[sflag:s18] =	ssyncset.done $0x0  }
0x24: {  	[sflag:s18] =	ssyncadd.s32 $0xFFFFF800  }
0x25: {  	_ =	swait.ge [sflag:s18], $0x800  }
0x26: {  	[sflag:s18] =	ssyncset.done $0x0  }
0x27: {  	[sflag:s18] =	ssyncadd.s32 $0xFFFFF800  }
0x28: {  	_ =	swait.ge [sflag:s19], $0x800  }
0x29: {  	[sflag:s19] =	ssyncset.done $0x0  }
0x2a: {  	[sflag:s19] =	ssyncadd.s32 $0xFFFFF800  }
0x2b: {  	_ =	swait.ge [sflag:s19], $0x800  }
0x2c: {  	[sflag:s19] =	ssyncset.done $0x0  }
0x2d: {  	[sflag:s19] =	ssyncadd.s32 $0xFFFFF800  }
0x2e: {  	[bflag:$0x0] =	sbarrier.arrive $0xFFFF  }
0x2f: {  	s9 =	sshrl.u32 s11, $0x3;
	s14 =	rddreg [dreg:$0x13]  }
0x30: {  	[hbm:s14], [sflag:s21] =	dma.local [spmem:s9], $0x500  }
0x31: {  	_ =	swait.ge [sflag:s24], $0x500  }
0x32: {  	[sflag:s24] =	ssyncset.done $0x0  }
0x33: {  	s22 =	sshrl.u32 s12, $0x3;
	s23 =	rddreg [dreg:$0x14];
	[sflag:s24] =	ssyncadd.s32 $0xFFFFFB00  }
0x34: {  	[hbm:s23], [sflag:s21] =	dma.local [spmem:s22], $0x500  }
0x35: {  	_ =	swait.ge [sflag:s24], $0x500  }
0x36: {  	s20 =	sadd.s32 $0x1, s20;
	s25 =	rddreg [dreg:$0x15]  }
0x37: {  	p0 =	sne.s32 s20, s25  }
.Ltmp1:
0x38: {  	_ = 	snop;
	(pc) =	sbr.rel @!p0 .LBB2_5-.Ltmp1, $3  }
0x39: {  	_ =	sdelay $0x1  }
0x3a: {  	[sflag:s24] =	ssyncset.done $0x0  }
0x3b: {  	[sflag:s24] =	ssyncadd.s32 $0xFFFFFB00  }
.LBB2_1:
0x3c: {  	s9 =	rddreg [dreg:$0x8]  }
0x3d: {  	[tilespmem:s5], [sflag:$0x9] =	stream.linear.gather [hbm4b:s9+s5], $0x2800, $0x38;
	[tilespmem:$0xF800] =	vst v63  }
0x3e: {  	_ =	swait.ge [sflag:s24], $0x2800  }
0x3f: {  	[sflag:s24] =	ssyncset.done $0x0  }
0x40: {  	s23 =	rddreg [dreg:$0x9];
	[sflag:s24] =	ssyncadd.s32 $0xFFFFD800  }
0x41: {  	[tilespmem:s26], [sflag:$0x9] =	stream.linear.gather [hbm4b:s23+s5], $0x2800, $0x38;
	[tilespmem:$0xF800] =	vst v63  }
0x42: {  	_ =	swait.ge [sflag:s24], $0x2800  }
0x43: {  	[sflag:s24] =	ssyncset.done $0x0  }
0x44: {  	s25 =	rddreg [dreg:$0x6];
	[sflag:s24] =	ssyncadd.s32 $0xFFFFD800  }
0x45: {  	[tilespmem:s28], [sflag:$0x9] =	stream.linear.gather [hbm4b:s25+s5], $0x800, $0x38;
	[tilespmem:$0xF800] =	vst v63  }
0x46: {  	_ =	swait.ge [sflag:s24], $0x800  }
0x47: {  	[sflag:s24] =	ssyncset.done $0x0  }
0x48: {  	s14 =	rddreg [dreg:$0x7];
	[sflag:s24] =	ssyncadd.s32 $0xFFFFF800  }
0x49: {  	[tilespmem:s29], [sflag:$0x9] =	stream.linear.gather [hbm4b:s14+s5], $0x800, $0x38;
	[tilespmem:$0xF800] =	vst v63  }
0x4a: {  	s21 =	stileid.u32;
	_ =	swait.ge [sflag:s24], $0x800  }
0x4b: {  	s21 =	sshll.u32 s21, $0x6;
	[sflag:s24] =	ssyncset.done $0x0;
	s22 =	rddreg [dreg:$0xa]  }
0x4c: {  	s21 =	sor.u32 $0x1C09, s21;
	s14 =	rddreg [dreg:$0x16];
	[sflag:s24] =	ssyncadd.s32 $0xFFFFF800  }
0x4d: {  	[spmem:s14], [sflag:s21] =	dma.local [hbm:s22], $0x500  }
0x4e: {  	_ =	swait.ge [sflag:s24], $0x500  }
0x4f: {  	[sflag:s24] =	ssyncset.done $0x0  }
0x50: {  	[sflag:s24] =	ssyncadd.s32 $0xFFFFFB00  }
0x51: {  	[spmem:s11] =	stream.linear.scatter [tilespmem:s28], [sflag:$0x9], $0x800, $0x38;
	[tilespmem:$0xF800] =	vst v63  }
0x52: {  	_ =	swait.ge [sflag:s24], $0x800  }
0x53: {  	[sflag:s24] =	ssyncset.done $0x0  }
0x54: {  	[sflag:s24] =	ssyncadd.s32 $0xFFFFF800  }
0x55: {  	[spmem:s12] =	stream.linear.scatter [tilespmem:s28], [sflag:$0x9], $0x800, $0x38;
	[tilespmem:$0xF800] =	vst v63  }
0x56: {  	_ =	swait.ge [sflag:s24], $0x800  }
0x57: {  	[sflag:s24] =	ssyncset.done $0x0  }
0x58: {  	s23 =	rddreg [dreg:$0xb];
	[sflag:s24] =	ssyncadd.s32 $0xFFFFF800  }
0x59: {  	[spmem:s23] =	stream.linear.scatter [tilespmem:s28], [sflag:$0x9], $0x800, $0x38;
	[tilespmem:$0xF800] =	vst v63  }
0x5a: {  	_ =	swait.ge [sflag:s24], $0x800  }
0x5b: {  	[sflag:s24] =	ssyncset.done $0x0  }
0x5c: {  	s25 =	rddreg [dreg:$0xc];
	[sflag:s24] =	ssyncadd.s32 $0xFFFFF800  }
0x5d: {  	[spmem:s25] =	stream.linear.scatter [tilespmem:s28], [sflag:$0x9], $0x800, $0x38;
	[tilespmem:$0xF800] =	vst v63  }
0x5e: {  	_ =	swait.ge [sflag:s24], $0x800  }
0x5f: {  	[sflag:s24] =	ssyncset.done $0x0  }
0x60: {  	s14 =	rddreg [dreg:$0xd];
	[sflag:s24] =	ssyncadd.s32 $0xFFFFF800  }
0x61: {  	[spmem:s14] =	stream.linear.scatter [tilespmem:s28], [sflag:$0x9], $0x800, $0x38;
	[tilespmem:$0xF800] =	vst v63  }
0x62: {  	_ =	swait.ge [sflag:s24], $0x800  }
0x63: {  	[sflag:s24] =	ssyncset.done $0x0  }
0x64: {  	s22 =	rddreg [dreg:$0xe];
	[sflag:s24] =	ssyncadd.s32 $0xFFFFF800  }
0x65: {  	[spmem:s22] =	stream.linear.scatter [tilespmem:s28], [sflag:$0x9], $0x800, $0x38;
	[tilespmem:$0xF800] =	vst v63  }
0x66: {  	_ =	swait.ge [sflag:s24], $0x800  }
0x67: {  	[sflag:s24] =	ssyncset.done $0x0  }
0x68: {  	s23 =	rddreg [dreg:$0xf];
	[sflag:s24] =	ssyncadd.s32 $0xFFFFF800  }
0x69: {  	[spmem:s23] =	stream.linear.scatter [tilespmem:s28], [sflag:$0x9], $0x800, $0x38;
	[tilespmem:$0xF800] =	vst v63  }
0x6a: {  	_ =	swait.ge [sflag:s24], $0x800  }
0x6b: {  	[sflag:s24] =	ssyncset.done $0x0  }
0x6c: {  	s25 =	rddreg [dreg:$0x10];
	[sflag:s24] =	ssyncadd.s32 $0xFFFFF800  }
0x6d: {  	[spmem:s25] =	stream.linear.scatter [tilespmem:s28], [sflag:$0x9], $0x800, $0x38;
	[tilespmem:$0xF800] =	vst v63  }
0x6e: {  	_ =	swait.ge [sflag:s24], $0x800  }
0x6f: {  	[sflag:s24] =	ssyncset.done $0x0  }
0x70: {  	s14 =	rddreg [dreg:$0x11];
	[sflag:s24] =	ssyncadd.s32 $0xFFFFF800  }
0x71: {  	[spmem:s14] =	stream.linear.scatter [tilespmem:s28], [sflag:$0x9], $0x800, $0x38;
	[tilespmem:$0xF800] =	vst v63  }
0x72: {  	_ =	swait.ge [sflag:s24], $0x800  }
0x73: {  	[sflag:s24] =	ssyncset.done $0x0  }
0x74: {  	s22 =	rddreg [dreg:$0x12];
	[sflag:s24] =	ssyncadd.s32 $0xFFFFF800  }
0x75: {  	[spmem:s22] =	stream.linear.scatter [tilespmem:s28], [sflag:$0x9], $0x800, $0x38;
	[tilespmem:$0xF800] =	vst v63  }
0x76: {  	_ =	swait.ge [sflag:s24], $0x800  }
0x77: {  	[sflag:s24] =	ssyncset.done $0x0  }
0x78: {  	[sflag:s24] =	ssyncadd.s32 $0xFFFFF800  }
0x79: {  	[bflag:$0x0] =	sbarrier.arrive $0xFFFF  }
0x7a: {  	[tilespmem:s31], [sflag:$0x1] =	stream.indirect.gather [spmem:s2], $0x10, s5, s30, $0xb8;
	[tilespmem:$0xF800] =	vst v63  }
0x7b: {  	_ = 	snop  }
0x7c: {  	[tilespmem:s1], [sflag:$0x2] =	stream.indirect.gather [spmem:s2], $0x10, s30, s30, $0xb8;
	[tilespmem:$0xF800] =	vst v63  }
0x7d: {  	_ =	swait.ge [sflag:s0], $0x800  }
0x7e: {  	[sflag:s0] =	ssyncset.done $0x0  }
0x7f: {  	s23 =	simm.s32 $0x100;
	[sflag:s0] =	ssyncadd.s32 $0xFFFFF800  }
0x80: {  	[tilespmem:s6], [sflag:$0x3] =	stream.indirect.gather [spmem:s2], $0x10, s23, s30, $0xb8;
	[tilespmem:$0xF800] =	vst v63  }
0x81: {  	_ = 	snop  }
0x82: {  	[spmem:s3] =	stream.indirect.scatter.add.f32 [tilespmem:s31], [sflag:$0x5], $0x10, s26, s30, $0xb8;
	[tilespmem:$0xF800] =	vst v63  }
0x83: {  	_ = 	snop  }
0x84: {  	[spmem:s4] =	stream.indirect.scatter.add.f32 [tilespmem:s29], [sflag:$0x5], $0x10, s26, s30, $0xb8;
	[tilespmem:$0xF800] =	vst v63  }
0x85: {  	_ =	swait.ge [sflag:s7], $0x800  }
0x86: {  	[sflag:s7] =	ssyncset.done $0x0  }
0x87: {  	s25 =	simm.s32 $0x180;
	[sflag:s7] =	ssyncadd.s32 $0xFFFFF800  }
0x88: {  	[tilespmem:s8], [sflag:$0x4] =	stream.indirect.gather [spmem:s2], $0x10, s25, s30, $0xb8;
	[tilespmem:$0xF800] =	vst v63  }
0x89: {  	s14 =	simm.s32 $0x2880  }
0x8a: {  	[spmem:s3] =	stream.indirect.scatter.add.f32 [tilespmem:s1], [sflag:$0x6], $0x10, s14, s30, $0xb8;
	[tilespmem:$0xF800] =	vst v63  }
0x8b: {  	_ = 	snop  }
0x8c: {  	[spmem:s4] =	stream.indirect.scatter.add.f32 [tilespmem:s29], [sflag:$0x6], $0x10, s14, s30, $0xb8;
	[tilespmem:$0xF800] =	vst v63  }
0x8d: {  	_ =	swait.ge [sflag:s10], $0x800  }
0x8e: {  	[sflag:s10] =	ssyncset.done $0x0  }
0x8f: {  	[sflag:s10] =	ssyncadd.s32 $0xFFFFF800  }
0x90: {  	_ =	swait.ge [sflag:s13], $0x800  }
0x91: {  	[sflag:s13] =	ssyncset.done $0x0  }
0x92: {  	[sflag:s13] =	ssyncadd.s32 $0xFFFFF800  }
0x93: {  	_ =	swait.ge [sflag:s13], $0x800  }
0x94: {  	[sflag:s13] =	ssyncset.done $0x0  }
0x95: {  	s22 =	simm.s32 $0x200;
	[sflag:s13] =	ssyncadd.s32 $0xFFFFF800  }
0x96: {  	[tilespmem:s31], [sflag:$0x1] =	stream.indirect.gather [spmem:s2], $0x10, s22, s30, $0xb8;
	[tilespmem:$0xF800] =	vst v63  }
0x97: {  	s23 =	simm.s32 $0x2900  }
0x98: {  	[spmem:s3] =	stream.indirect.scatter.add.f32 [tilespmem:s6], [sflag:$0x7], $0x10, s23, s30, $0xb8;
	[tilespmem:$0xF800] =	vst v63  }
0x99: {  	_ = 	snop  }
0x9a: {  	[spmem:s4] =	stream.indirect.scatter.add.f32 [tilespmem:s29], [sflag:$0x7], $0x10, s23, s30, $0xb8;
	[tilespmem:$0xF800] =	vst v63  }
0x9b: {  	_ =	swait.ge [sflag:s15], $0x800  }
0x9c: {  	[sflag:s15] =	ssyncset.done $0x0  }
0x9d: {  	[sflag:s15] =	ssyncadd.s32 $0xFFFFF800  }
0x9e: {  	_ =	swait.ge [sflag:s16], $0x800  }
0x9f: {  	[sflag:s16] =	ssyncset.done $0x0  }
0xa0: {  	[sflag:s16] =	ssyncadd.s32 $0xFFFFF800  }
0xa1: {  	_ =	swait.ge [sflag:s16], $0x800  }
0xa2: {  	[sflag:s16] =	ssyncset.done $0x0  }
0xa3: {  	s25 =	simm.s32 $0x280;
	[sflag:s16] =	ssyncadd.s32 $0xFFFFF800  }
0xa4: {  	[tilespmem:s1], [sflag:$0x2] =	stream.indirect.gather [spmem:s2], $0x10, s25, s30, $0xb8;
	[tilespmem:$0xF800] =	vst v63  }
0xa5: {  	_ = 	snop  }
0xa6: {  	[spmem:s3] =	stream.indirect.scatter.add.f32 [tilespmem:s8], [sflag:$0x8], $0x10, s17, s30, $0xb8;
	[tilespmem:$0xF800] =	vst v63  }
0xa7: {  	s22 =	simm.s32 $0x0  }
0xa8: {  	[spmem:s4] =	stream.indirect.scatter.add.f32 [tilespmem:s29], [sflag:$0x8], $0x10, s17, s30, $0xb8;
	[tilespmem:$0xF800] =	vst v63  }
.LBB2_2:
0xa9: {  	_ =	swait.ge [sflag:s0], $0x800  }
0xaa: {  	[sflag:s0] =	ssyncset.done $0x0  }
0xab: {  	[sflag:s0] =	ssyncadd.s32 $0xFFFFF800  }
0xac: {  	_ =	swait.ge [sflag:s18], $0x800  }
0xad: {  	[sflag:s18] =	ssyncset.done $0x0  }
0xae: {  	[sflag:s18] =	ssyncadd.s32 $0xFFFFF800  }
0xaf: {  	_ =	swait.ge [sflag:s18], $0x800  }
0xb0: {  	s23 =	sshra.s32 s22, $0x2;
	[sflag:s18] =	ssyncset.done $0x0  }
0xb1: {  	s25 =	sadd.s32 $0x300, s23;
	[sflag:s18] =	ssyncadd.s32 $0xFFFFF800  }
0xb2: {  	[tilespmem:s6], [sflag:$0x3] =	stream.indirect.gather [spmem:s2], $0x10, s25, s30, $0xb8;
	[tilespmem:$0xF800] =	vst v63  }
0xb3: {  	s14 =	sadd.s32 $0x2A00, s23  }
0xb4: {  	[spmem:s3] =	stream.indirect.scatter.add.f32 [tilespmem:s31], [sflag:$0x5], $0x10, s14, s30, $0xb8;
	[tilespmem:$0xF800] =	vst v63  }
0xb5: {  	_ = 	snop  }
0xb6: {  	[spmem:s4] =	stream.indirect.scatter.add.f32 [tilespmem:s29], [sflag:$0x5], $0x10, s14, s30, $0xb8;
	[tilespmem:$0xF800] =	vst v63  }
0xb7: {  	_ =	swait.ge [sflag:s7], $0x800  }
0xb8: {  	[sflag:s7] =	ssyncset.done $0x0  }
0xb9: {  	[sflag:s7] =	ssyncadd.s32 $0xFFFFF800  }
0xba: {  	_ =	swait.ge [sflag:s19], $0x800  }
0xbb: {  	[sflag:s19] =	ssyncset.done $0x0  }
0xbc: {  	[sflag:s19] =	ssyncadd.s32 $0xFFFFF800  }
0xbd: {  	_ =	swait.ge [sflag:s19], $0x800  }
0xbe: {  	[sflag:s19] =	ssyncset.done $0x0  }
0xbf: {  	s9 =	sadd.s32 $0x380, s23;
	[sflag:s19] =	ssyncadd.s32 $0xFFFFF800  }
0xc0: {  	[tilespmem:s8], [sflag:$0x4] =	stream.indirect.gather [spmem:s2], $0x10, s9, s30, $0xb8;
	[tilespmem:$0xF800] =	vst v63  }
0xc1: {  	s14 =	sadd.s32 $0x2A80, s23  }
0xc2: {  	[spmem:s3] =	stream.indirect.scatter.add.f32 [tilespmem:s1], [sflag:$0x6], $0x10, s14, s30, $0xb8;
	[tilespmem:$0xF800] =	vst v63  }
0xc3: {  	_ = 	snop  }
0xc4: {  	[spmem:s4] =	stream.indirect.scatter.add.f32 [tilespmem:s29], [sflag:$0x6], $0x10, s14, s30, $0xb8;
	[tilespmem:$0xF800] =	vst v63  }
0xc5: {  	_ =	swait.ge [sflag:s10], $0x800  }
0xc6: {  	[sflag:s10] =	ssyncset.done $0x0  }
0xc7: {  	[sflag:s10] =	ssyncadd.s32 $0xFFFFF800  }
0xc8: {  	_ =	swait.ge [sflag:s13], $0x800  }
0xc9: {  	[sflag:s13] =	ssyncset.done $0x0  }
0xca: {  	p0 =	seq.s32 s22, $0x9000;
	[sflag:s13] =	ssyncadd.s32 $0xFFFFF800  }
0xcb: {  	s25 =	sshra.s32 @!p0 s22, $0x2;
	_ =	swait.ge [sflag:s13], $0x800  }
0xcc: {  	s25 =	sadd.s32 @!p0 $0x400, s25;
	[sflag:s13] =	ssyncset.done $0x0  }
0xcd: {  	s9 =	simm.s32 @!p0 $0x80;
	s14 =	simm.s32 @!p0 $0x5000;
	[sflag:s13] =	ssyncadd.s32 $0xFFFFF800  }
0xce: {  	[tilespmem:s14], [sflag:$0x1] =	stream.indirect.gather @!p0 [spmem:s2], $0x10, s25, s9, $0xb8;
	[tilespmem:$0xF800] =	vst v63  }
0xcf: {  	s25 =	sadd.s32 $0x2B00, s23  }
0xd0: {  	[spmem:s3] =	stream.indirect.scatter.add.f32 [tilespmem:s6], [sflag:$0x7], $0x10, s25, s30, $0xb8;
	[tilespmem:$0xF800] =	vst v63  }
0xd1: {  	_ = 	snop  }
0xd2: {  	[spmem:s4] =	stream.indirect.scatter.add.f32 [tilespmem:s29], [sflag:$0x7], $0x10, s25, s30, $0xb8;
	[tilespmem:$0xF800] =	vst v63  }
0xd3: {  	_ =	swait.ge [sflag:s15], $0x800  }
0xd4: {  	[sflag:s15] =	ssyncset.done $0x0  }
0xd5: {  	[sflag:s15] =	ssyncadd.s32 $0xFFFFF800  }
0xd6: {  	_ =	swait.ge [sflag:s16], $0x800  }
.Ltmp2:
0xd7: {  	[sflag:s16] =	ssyncset.done $0x0;
	(pc) =	sbr.rel @p0 .LBB2_4-.Ltmp2, $4  }
0xd8: {  	[sflag:s16] =	ssyncadd.s32 $0xFFFFF800  }
0xd9: {  	_ =	swait.ge [sflag:s16], $0x800  }
0xda: {  	[sflag:s16] =	ssyncset.done $0x0  }
0xdb: {  	s25 =	sadd.s32 $0x2B80, s23;
	[sflag:s16] =	ssyncadd.s32 $0xFFFFF800  }
0xdc: {  	s9 =	sadd.s32 $0x480, s23  }
0xdd: {  	[tilespmem:s1], [sflag:$0x2] =	stream.indirect.gather [spmem:s2], $0x10, s9, s30, $0xb8;
	[tilespmem:$0xF800] =	vst v63  }
.Ltmp3:
0xde: {  	_ = 	snop;
	(pc) =	sbr.rel .LBB2_2-.Ltmp3, $4  }
0xdf: {  	_ = 	snop  }
0xe0: {  	[spmem:s3] =	stream.indirect.scatter.add.f32 [tilespmem:s8], [sflag:$0x8], $0x10, s25, s30, $0xb8;
	[tilespmem:$0xF800] =	vst v63  }
0xe1: {  	s22 =	sadd.s32 $0x800, s22  }
0xe2: {  	[spmem:s4] =	stream.indirect.scatter.add.f32 [tilespmem:s29], [sflag:$0x8], $0x10, s25, s30, $0xb8;
	[tilespmem:$0xF800] =	vst v63  }
.LBB2_5:
0xe3: {  	_ =	sfence.sel $0x180000  }
0xe4: {  	[bflag:$0x0] =	sbarrier.arrive $0xFFFF  }
0xe5: {  	_ =	strace $0x90000047  }
0xe6: {  	s0 =	stileid.u32;
	[bflag:$0x2] =	sbarrier.arrive $0xFFFF  }
0xe7: {  	p0 =	sne.s32 s0, $0x0;
	s0 =	rddreg [dreg:$0x5]  }
0xe8: {  	s0 =	sadd.s32 @!p0 $0x100000, s0  }
0xe9: {  	[sflag:s0] =	ssyncadd.tile.s32 @!p0 $0x1;
	_ =	shalt  }
.Lfunc_end2:
_tile_overlayer_lowered:
.L_overlay_start_2:
0xea: {  	(tag) =	ssettag $0x2  }
0xeb: {  	s0 =	rddreg [dreg:$0x0];
	s2 =	stileid.u32  }
0xec: {  	s1 =	rddreg [dreg:$0x1];
	p0 =	sne.s32 s2, $0x0  }
0xed: {  	s3 =	rddreg [dreg:$0x2];
	[bflag:$0x3] =	sbarrier.arrive $0xFFFF;
	s2 =	simm.s32 @!p0 $0x1C09  }
0xee: {  	[timem:s3], [sflag:s2] =	dma.local @!p0 [hbm:s0], s1  }
0xef: {  	s0 =	simm.s32 @!p0 $0x9  }
0xf0: {  	_ =	swait.ge @!p0 [sflag:s0], s1  }
0xf1: {  	s1 =	ssub.s32 @!p0 $0x0, s1;
	[sflag:s0] =	ssyncset.done @!p0 $0x0  }
0xf2: {  	[sflag:s0] =	ssyncadd.s32 @!p0 s1  }
0xf3: {  	[bflag:$0x3] =	sbarrier.arrive $0xFFFF  }
0xf4: {  	_ =	shalt  }

// kernel: kernel.9.cloned.1.call-start
scs
__scs_entry_jumppad:
0x0: {  	(pc) =	sbr.rel $0x88, $3  }
0x1: {  	(tag) =	ssettag $0x0;
	lr =	simm.s32 $0x1  }
0x2: {  	[smem:$0x3F99] =	sst lr;
	_ =	strace $0xD0000000  }
0x3: {  	_ = 	snop  }
0x4: {  	_ = 	snop  }
0x5: {  	_ = 	snop  }
0x6: {  	_ = 	snop  }
0x7: {  	_ = 	snop  }
__scs_overlays_trampoline_lowered:
0x8: {  	[smem:$0x3FA8] =	sst s0  }
0x9: {  	[smem:$0x3FA9] =	sst s1  }
0xa: {  	[smem:$0x3FAA] =	sst s2  }
0xb: {  	[smem:$0x3FAB] =	sst s3  }
0xc: {  	[smem:$0x3FAC] =	sst s4  }
0xd: {  	[smem:$0x3FAD] =	sst s5  }
0xe: {  	[smem:$0x3FAE] =	sst s6  }
0xf: {  	[smem:$0x3FAF] =	sst s7  }
0x10: {  	[smem:$0x3FB0] =	sst s8  }
0x11: {  	[smem:$0x3FB1] =	sst s9;
	s0 =	simm.s32 @!p0 $0x0  }
0x12: {  	s1 =	sld [smem:$0x3F97];
	s0 =	simm.s32 @p0 $0x1  }
0x13: {  	[smem:$0x3FB2] =	sst s0;
	s0 =	simm.s32 @!p1 $0x0  }
0x14: {  	s2 =	sld [smem:$0x3F96];
	s0 =	simm.s32 @p1 $0x1  }
0x15: {  	[smem:$0x3FB3] =	sst s0;
	s0 =	simm.s32 @!p2 $0x0  }
0x16: {  	s3 =	sld [smem:$0x3FDB];
	s0 =	simm.s32 @p2 $0x1  }
0x17: {  	s4 =	simm.s32 $0x1BF5;
	[smem:$0x3FB5] =	sst s0  }
0x18: {  	s0 =	sld [smem:$0x3F98];
	_ =	swait.ge [sflag:s4], $0x0  }
0x19: {  	s7 =	sld [smem:$0x3F99]  }
0x1a: {  	s8 =	sadd.s32 $0xFFFFE003, lr  }
0x1b: {  	s9 =	sadd.s32 $0xFFFFFEF7, lr;
	s5 =	simm.s32 $0xFFFFFFFF;
	p2 =	slt.u32 s8, $0xFFFFF086  }
0x1c: {  	p1 =	slt.u32 s9, $0xF7A;
	s5 =	simm.s32 @!p2 $0x0  }
0x1d: {  	s5 =	simm.s32 @p1 $0x1;
	p0 =	seq.s32 s7, s2  }
0x1e: {  	s7 =	smul.u32 @!p0 $0xF7A, s2;
	p2 =	seq.s32 @!p0 s5, $0x0  }
0x1f: {  	s9 =	smul.u32 $0xF7A, s1;
	s8 =	simm.s32 @!p0 $0x1BF5;
	p2 =	por !p2, p0  }
0x20: {  	[sflag:s8] =	ssyncset.s32 @!p0 $0xFFFFF086;
	s6 =	sadd.s32 @!p0 s3, s7;
	s7 =	simm.s32 @!p0 $0x108  }
0x21: {  	s3 =	sadd.s32 s3, s9;
	s6 =	sadd.s32 @!p0 $0x88, s6;
	s7 =	simm.s32 @p2 $0x1082  }
0x22: {  	[simem:s7], [sflag:s8] =	dma.local @!p0 [hbm:s6], $0xF7A  }
0x23: {  	s9 =	sor.u32 $0xD0000000, s2;
	s6 =	simm.s32 $0x108;
	_ =	swait.ge @!p0 [sflag:s8], $0x0  }
0x24: {  	s3 =	sadd.s32 $0x88, s3;
	s6 =	simm.s32 @!p1 $0x1082;
	[sflag:s4] =	ssyncset.s32 $0xFFFFF086  }
0x25: {  	[simem:s6], [sflag:s4] =	dma.local [hbm:s3], $0xF7A  }
0x26: {  	[smem:$0x3F99] =	sst s1;
	(tag) =	ssettag s2;
	_ =	strace s9  }
0x27: {  	s1 =	sld [smem:$0x3FA9]  }
0x28: {  	s2 =	sld [smem:$0x3FAA]  }
0x29: {  	s4 =	sld [smem:$0x3FAC]  }
0x2a: {  	p0 =	seq.s32 s5, $0x0;
	s5 =	sld [smem:$0x3FAD]  }
0x2b: {  	s6 =	sld [smem:$0x3FAE]  }
0x2c: {  	s7 =	sld [smem:$0x3FAF]  }
0x2d: {  	s3 =	simm.s32 $0x108;
	s8 =	sld [smem:$0x3FB0]  }
0x2e: {  	s3 =	simm.s32 @!p0 $0x1082;
	s9 =	sld [smem:$0x3FB1]  }
0x2f: {  	lr =	sadd.s32 s0, s3;
	s0 =	sld [smem:$0x3FA8]  }
0x30: {  	s3 =	sld [smem:$0x3FAB]  }
0x31: {  	[smem:$0x3FB4] =	sst s10  }
0x32: {  	s10 =	sld [smem:$0x3FB2];
	_ =	sdelay $0x3  }
0x33: {  	p0 =	seq.s32 s10, $0x1;
	s10 =	sld [smem:$0x3FB4];
	_ =	sdelay $0x3  }
0x34: {  	[smem:$0x3FB4] =	sst s10  }
0x35: {  	s10 =	sld [smem:$0x3FB3];
	_ =	sdelay $0x3  }
0x36: {  	p1 =	seq.s32 s10, $0x1;
	s10 =	sld [smem:$0x3FB4];
	_ =	sdelay $0x3  }
0x37: {  	[smem:$0x3FB4] =	sst s10  }
0x38: {  	s10 =	sld [smem:$0x3FB5]  }
0x39: {  	_ = 	snop;
	(pc) =	sbr.ind lr, $3  }
0x3a: {  	_ = 	snop  }
0x3b: {  	_ = 	snop  }
0x3c: {  	p2 =	seq.s32 s10, $0x1;
	s10 =	sld [smem:$0x3FB4]  }
0x3d: {  	_ =	shalt  }
0x3e: {  	_ =	shalt  }
0x3f: {  	_ =	shalt  }
0x40: {  	_ =	shalt  }
0x41: {  	_ =	shalt  }
0x42: {  	_ =	shalt  }
0x43: {  	_ =	shalt  }
0x44: {  	_ =	shalt  }
0x45: {  	_ =	shalt  }
0x46: {  	_ =	shalt  }
0x47: {  	_ =	shalt  }
0x48: {  	_ =	shalt  }
0x49: {  	_ =	shalt  }
0x4a: {  	_ =	shalt  }
0x4b: {  	_ =	shalt  }
0x4c: {  	_ =	shalt  }
0x4d: {  	_ =	shalt  }
0x4e: {  	_ =	shalt  }
0x4f: {  	_ =	shalt  }
0x50: {  	_ =	shalt  }
0x51: {  	_ =	shalt  }
0x52: {  	_ =	shalt  }
0x53: {  	_ =	shalt  }
0x54: {  	_ =	shalt  }
0x55: {  	_ =	shalt  }
0x56: {  	_ =	shalt  }
0x57: {  	_ =	shalt  }
0x58: {  	_ =	shalt  }
0x59: {  	_ =	shalt  }
0x5a: {  	_ =	shalt  }
0x5b: {  	_ =	shalt  }
0x5c: {  	_ =	shalt  }
0x5d: {  	_ =	shalt  }
0x5e: {  	_ =	shalt  }
0x5f: {  	_ =	shalt  }
0x60: {  	_ =	shalt  }
0x61: {  	_ =	shalt  }
0x62: {  	_ =	shalt  }
0x63: {  	_ =	shalt  }
0x64: {  	_ =	shalt  }
0x65: {  	_ =	shalt  }
0x66: {  	_ =	shalt  }
0x67: {  	_ =	shalt  }
0x68: {  	_ =	shalt  }
0x69: {  	_ =	shalt  }
0x6a: {  	_ =	shalt  }
0x6b: {  	_ =	shalt  }
0x6c: {  	_ =	shalt  }
0x6d: {  	_ =	shalt  }
0x6e: {  	_ =	shalt  }
0x6f: {  	_ =	shalt  }
0x70: {  	_ =	shalt  }
0x71: {  	_ =	shalt  }
0x72: {  	_ =	shalt  }
0x73: {  	_ =	shalt  }
0x74: {  	_ =	shalt  }
0x75: {  	_ =	shalt  }
0x76: {  	_ =	shalt  }
0x77: {  	_ =	shalt  }
0x78: {  	_ =	shalt  }
0x79: {  	_ =	shalt  }
0x7a: {  	_ =	shalt  }
0x7b: {  	_ =	shalt  }
0x7c: {  	_ =	shalt  }
0x7d: {  	_ =	shalt  }
0x7e: {  	_ =	shalt  }
0x7f: {  	_ =	shalt  }
0x80: {  	_ =	shalt  }
0x81: {  	_ =	shalt  }
0x82: {  	_ =	shalt  }
0x83: {  	_ =	shalt  }
0x84: {  	_ =	shalt  }
0x85: {  	_ =	shalt  }
0x86: {  	_ =	shalt  }
0x87: {  	_ =	shalt  }
.Lfunc_end0:
.L_simem_size_0:
called_computation.1_lowered:
.L_overlay_start_0:
0x88: {  	s2 =	sld [smem:$0x3FD9]  }
0x89: {  	s3 =	sld [smem:$0x3FFE];
	_ =	sdelay $0x1  }
0x8a: {  	s1 =	srdreg.scid  }
0x8b: {  	s0 =	sand.u32 $0x1, s1  }
0x8c: {  	s17 =	sshll.u32 s0, $0xA;
	s2 =	sadd.s32 s3, s2  }
0x8d: {  	s2 =	sadd.s32 s2, s17  }
0x8e: {  	[smem:$0x3FC0] =	sst s2  }
0x8f: {  	_ = 	snop  }
0x90: {  	s2 =	sld [smem:$0x3FD0];
	(tm) =	ssettm $0x1  }
0x91: {  	s18 =	sld [smem:$0x3FFB];
	_ =	sdelay $0x3  }
0x92: {  	_ =	strace s18  }
0x93: {  	s3 =	sld [smem:$0x3FFC];
	_ =	sdelay $0x3  }
0x94: {  	_ =	strace s3  }
0x95: {  	s3 =	sld [smem:$0x3FFD];
	_ =	sdelay $0x3  }
0x96: {  	_ =	strace s3  }
0x97: {  	_ =	strace $0x8FFFFFFF  }
0x98: {  	s19 =	sld [smem:$0x3FDB];
	_ =	sdelay $0x1  }
0x99: {  	s4 =	simm.s32 $_scs_section_size  }
0x9a: {  	s5 =	simm.s32 $_size__tile_overlayer_lowered;
	s6 =	simm.s32 $_tile_overlayer_lowered  }
0x9b: {  	s22 =	simm.s32 $0x1BFF;
	s21 =	sshll.u32 s6, $0x1;
	s3 =	sadd.s32 s4, s19  }
0x9c: {  	s7 =	simm.s32 $0x0;
	s20 =	sshll.u32 s5, $0x1;
	s5 =	sadd.s32 s21, s3  }
0x9d: {  	[timem:s7], [sflag:s22] =	dma.local [hbm:s5], s20  }
0x9e: {  	_ =	swait.ge [sflag:s22], s20  }
0x9f: {  	s4 =	ssub.s32 $0x0, s20;
	[sflag:s22] =	ssyncset.done $0x0  }
0xa0: {  	[sflag:s22] =	ssyncadd.s32 s4;
	_ =	sdelay $0x1  }
0xa1: {  	s23 =	simm.s32 $0x1B8B  }
0xa2: {  	_ =	swait.ge [sflag:s23], $0x1  }
0xa3: {  	[sflag:s23] =	ssyncset.done $0x0  }
0xa4: {  	s25 =	simm.s32 $0x1B8E;
	s24 =	sld [smem:$0x3FFE];
	[sflag:s23] =	ssyncadd.s32 $0xFFFFFFFF  }
0xa5: {  	s26 =	simm.s32 $execute0_lowered;
	[smem:$0x3FD2] =	sst s25  }
0xa6: {  	s5 =	sshll.u32 s26, $0x1;
	_ =	strace $0x80000049;
	[dreg:$0x1] =	wrdreg $0xFFFFFFFF  }
0xa7: {  	s28 =	simm.s32 $_size_execute0_lowered;
	s3 =	sadd.s32 s3, s5;
	[dreg:$0x0] =	wrdreg $0x0  }
0xa8: {  	s5 =	sshll.u32 s28, $0x1;
	[dreg:$0x2] =	wrdreg s3  }
0xa9: {  	[dreg:$0x3] =	wrdreg s5  }
0xaa: {  	[dreg:$0x4] =	wrdreg $0xC0  }
0xab: {  	_ =	task [dreg:s7], $0x5FFFF  }
0xac: {  	[dreg:$0x1] =	wrdreg $0xFFFFFFFF  }
0xad: {  	[dreg:$0x0] =	wrdreg $0x60  }
0xae: {  	[dreg:$0x2] =	wrdreg s2  }
0xaf: {  	[dreg:$0x3] =	wrdreg s24  }
0xb0: {  	[dreg:$0x4] =	wrdreg $0x140000  }
0xb1: {  	[dreg:$0x5] =	wrdreg $0x168000  }
0xb2: {  	[dreg:$0x6] =	wrdreg $0x9  }
0xb3: {  	_ =	task.clear_ibuf [dreg:s7], $0x7FFFF;
	_ =	strace $0x90000049  }
0xb4: {  	s29 =	simm.s32 $0x9;
	_ =	strace $0x8000004B  }
0xb5: {  	_ =	swait.ge [sflag:s29], $0x1  }
0xb6: {  	[sflag:s29] =	ssyncadd.s32 $0xFFFFFFFF  }
0xb7: {  	_ =	strace $0x9000004B  }
0xb8: {  	_ =	sfence  }
0xb9: {  	s30 =	sld [smem:$0x0];
	_ =	sdelay $0x2  }
0xba: {  	s31 =	sshll.u32 s1, $0xD;
	s1 =	sshrl.u32 s1, $0x2  }
0xbb: {  	s3 =	sand.u32 $0x4000, s31;
	s1 =	sadd.s32 s1, s30  }
0xbc: {  	s0 =	sor.u32 s3, s0;
	s1 =	sshll.u32 s1, $0x11  }
0xbd: {  	s0 =	sor.u32 s1, s0  }
0xbe: {  	s0 =	sadd.s32 $0x8F2B, s0  }
0xbf: {  	[sflag:s0] =	ssyncadd.remote.s32 $0x1  }
0xc0: {  	_ =	sfence.sel $0xFFFF  }
0xc1: {  	[dreg:$0x0] =	wrdreg $0xFFFFFFFF;
	(pc) =	sbr.abs _section_cstart, $3  }
0xc2: {  	[dreg:$0x1] =	wrdreg $0xFFFFFFFF  }
0xc3: {  	_ =	task.clear_ibuf [dreg:s7], $0x2FFFF;
	_ =	strace $0x9FFFFFFF  }
0xc4: {  	(tm) =	ssettm $0x7FFFFFFF  }
0xc5: {  	_ =	shalt  }
tec
execute0_lowered:
.L_overlay_start_1:
0x0: {  	(tag) =	ssettag $0x1  }
0x1: {  	s0 =	rddreg [dreg:$0x0]  }
0x2: {  	s5 =	rddreg [dreg:$0x1]  }
0x3: {  	s1 =	srdreg.scid;
	s2 =	rddreg [dreg:$0x2]  }
0x4: {  	s15 =	stileid.u32;
	s3 =	rddreg [dreg:$0x3];
	s31 =	simm.s32 $0x80  }
0x5: {  	s28 =	simm.s32 $0x1;
	s29 =	simm.s32 $0x6000;
	s30 =	simm.s32 $0x2  }
0x6: {  	s1 =	sand.u32 $0x1, s1;
	s7 =	smul.u32 $0x500, s15;
	s10 =	sadd.s32 $0x11200, s5  }
0x7: {  	s11 =	smul.u32 $0x2800, s15;
	s12 =	sadd.s32 $0x1B200, s5;
	s13 =	sadd.s32 $0x11000, s5  }
0x8: {  	s22 =	smul.u32 $0xA000, s15;
	s25 =	sshrl.u32 s15, $0x3;
	s4 =	sshll.u32 s1, $0x4  }
0x9: {  	s8 =	smul.u32 $0x5000, s1;
	s16 =	ssub.s32 $0x2, s1;
	p0 =	sne.s32 s25, s1  }
0xa: {  	s25 =	simm.s32 $0x7800;
	s1 =	simm.s32 $0x5000;
	s6 =	sor.u32 s15, s4  }
0xb: {  	s4 =	simm.s32 $0x0;
	s17 =	sshrl.u32 s11, $0x3;
	s14 =	sshrl.u32 s16, $0x1  }
0xc: {  	s24 =	sadd.s32 s11, s2;
	s15 =	sadd.s32 s11, s3;
	s11 =	simm.s32 $0x0  }
0xd: {  	s6 =	smul.u32 $0x500, s6;
	[smem:$0x7FF] =	sst s4;
	s7 =	sadd.s32 s7, s8  }
0xe: {  	s20 =	sadd.s32 s10, s17;
	_ =	strace $0x8000004A;
	[dreg:$0x5] =	wrdreg s13  }
0xf: {  	s21 =	sadd.s32 $0x5000, s17;
	s8 =	sadd.s32 s12, s17;
	[dreg:$0x9] =	wrdreg s20  }
0x10: {  	s7 =	sadd.s32 s7, s5;
	s13 =	ssub.s32 s16, s14;
	[dreg:$0xb] =	wrdreg s8  }
0x11: {  	s23 =	sadd.s32 s10, s21;
	[dreg:$0xd] =	wrdreg s24;
	s24 =	simm.s32 $0x7000  }
0x12: {  	s8 =	simm.s32 $0x6;
	s10 =	simm.s32 $0x8;
	s9 =	sadd.s32 s6, s5  }
0x13: {  	s5 =	sadd.s32 s17, s5;
	s0 =	sadd.s32 s0, s6;
	[dreg:$0xa] =	wrdreg s23  }
0x14: {  	s6 =	sshrl.u32 s22, $0x2;
	s20 =	sadd.s32 $0x2A200, s7;
	s22 =	simm.s32 $0x9  }
0x15: {  	s23 =	simm.s32 $0x2800;
	[dreg:$0x6] =	wrdreg s0;
	s18 =	sadd.s32 $0x1E00, s9  }
0x16: {  	s7 =	simm.s32 $0x4;
	s19 =	sadd.s32 $0x25200, s5;
	[dreg:$0x7] =	wrdreg s18  }
0x17: {  	s0 =	sadd.s32 s12, s21;
	s5 =	sadd.s32 $0xBE00, s5;
	[dreg:$0x8] =	wrdreg s19  }
.Ltmp0:
0x18: {  	s26 =	sadd.s32 s6, s3;
	[dreg:$0xc] =	wrdreg s0;
	(pc) =	sbr.rel .LBB2_1-.Ltmp0, $4  }
0x19: {  	s21 =	smax.u32 s13, $0x1;
	s9 =	simm.s32 $0x7;
	[dreg:$0xe] =	wrdreg s5  }
0x1a: {  	s6 =	sadd.s32 $0x800, s26;
	s17 =	sadd.s32 $0x1000, s26;
	s18 =	sadd.s32 $0x1800, s26  }
0x1b: {  	s19 =	sadd.s32 $0x2000, s26;
	s26 =	simm.s32 $0x5800;
	s0 =	simm.s32 $0x6800  }
0x1c: {  	s5 =	simm.s32 $0x3;
	[dreg:$0xf] =	wrdreg s6;
	s6 =	simm.s32 $0x5  }
.LBB2_6:
0x1d: {  	[spmem:s3] =	stream.indirect.scatter.add.f32 [tilespmem:s29], [sflag:$0x7], $0x10, s14, s31, $0xb8;
	[tilespmem:$0x19000] =	vst v63  }
0x1e: {  	_ =	swait.ge [sflag:s7], $0x800  }
0x1f: {  	[sflag:s7] =	ssyncset.done $0x0  }
0x20: {  	[sflag:s7] =	ssyncadd.s32 $0xFFFFF800  }
0x21: {  	_ =	swait.ge [sflag:s8], $0x800  }
0x22: {  	[sflag:s8] =	ssyncset.done $0x0  }
0x23: {  	s12 =	sadd.s32 $0x2B80, s13;
	[sflag:s8] =	ssyncadd.s32 $0xFFFFF800  }
0x24: {  	[spmem:s3] =	stream.indirect.scatter.add.f32 [tilespmem:s0], [sflag:$0x8], $0x10, s12, s31, $0xb8;
	[tilespmem:$0x19000] =	vst v63  }
0x25: {  	_ =	swait.ge [sflag:s9], $0x800  }
0x26: {  	[sflag:s9] =	ssyncset.done $0x0  }
0x27: {  	[sflag:s9] =	ssyncadd.s32 $0xFFFFF800  }
0x28: {  	s14 =	stileid.u32;
	_ =	swait.ge [sflag:s10], $0x800  }
0x29: {  	s16 =	sshrl.u32 s15, $0x3;
	s11 =	sadd.s32 $0x1, s11;
	[sflag:s10] =	ssyncset.done $0x0  }
0x2a: {  	p1 =	sne.s32 s11, s21;
	s12 =	sshll.u32 s14, $0x6;
	[sflag:s10] =	ssyncadd.s32 $0xFFFFF800  }
.Ltmp1:
0x2b: {  	s12 =	sor.u32 $0x1C09, s12;
	[bflag:$0x0] =	sbarrier.arrive $0xFFFF;
	(pc) =	sbr.rel @!p1 .LBB2_7-.Ltmp1, $4  }
0x2c: {  	[hbm:s20], [sflag:s12] =	dma.local [spmem:s16], $0x500  }
0x2d: {  	_ =	swait.ge [sflag:s22], $0x500  }
0x2e: {  	[sflag:s22] =	ssyncset.done $0x0  }
0x2f: {  	[sflag:s22] =	ssyncadd.s32 $0xFFFFFB00  }
.LBB2_1:
0x30: {  	s12 =	rddreg [dreg:$0x6]  }
0x31: {  	[tilespmem:s4], [sflag:$0x9] =	stream.linear.gather [hbm4b:s12+s4], $0x2800, $0x38;
	[tilespmem:$0x19000] =	vst v63  }
0x32: {  	_ =	swait.ge [sflag:s22], $0x2800  }
0x33: {  	[sflag:s22] =	ssyncset.done $0x0  }
0x34: {  	s16 =	rddreg [dreg:$0x7];
	[sflag:s22] =	ssyncadd.s32 $0xFFFFD800  }
0x35: {  	[tilespmem:s23], [sflag:$0x9] =	stream.linear.gather [hbm4b:s16+s4], $0x2800, $0x38;
	[tilespmem:$0x19000] =	vst v63  }
0x36: {  	_ =	swait.ge [sflag:s22], $0x2800  }
0x37: {  	[sflag:s22] =	ssyncset.done $0x0  }
0x38: {  	s13 =	rddreg [dreg:$0x5];
	[sflag:s22] =	ssyncadd.s32 $0xFFFFD800  }
0x39: {  	[tilespmem:s24], [sflag:$0x9] =	stream.linear.gather [hbm4b:s13+s4], $0x800, $0x38;
	[tilespmem:$0x19000] =	vst v63  }
0x3a: {  	_ =	swait.ge [sflag:s22], $0x800  }
0x3b: {  	[sflag:s22] =	ssyncset.done $0x0  }
0x3c: {  	s14 =	rddreg [dreg:$0x8];
	[sflag:s22] =	ssyncadd.s32 $0xFFFFF800  }
0x3d: {  	[tilespmem:s25], [sflag:$0x9] =	stream.linear.gather [hbm4b:s14+s4], $0x2800, $0x38;
	[tilespmem:$0x19000] =	vst v63  }
0x3e: {  	_ =	swait.ge [sflag:s22], $0x2800  }
0x3f: {  	[sflag:s22] =	ssyncset.done $0x0  }
0x40: {  	s13 =	simm.s32 $0xA000;
	s16 =	rddreg [dreg:$0x9];
	[sflag:s22] =	ssyncadd.s32 $0xFFFFD800  }
0x41: {  	[tilespmem:s13], [sflag:$0x9] =	stream.linear.gather [hbm4b:s16+s4], $0x2800, $0x38;
	[tilespmem:$0x19000] =	vst v63  }
0x42: {  	_ =	swait.ge [sflag:s22], $0x2800  }
0x43: {  	[sflag:s22] =	ssyncset.done $0x0  }
0x44: {  	s16 =	simm.s32 $0xC800;
	s14 =	rddreg [dreg:$0xa];
	[sflag:s22] =	ssyncadd.s32 $0xFFFFD800  }
0x45: {  	[tilespmem:s16], [sflag:$0x9] =	stream.linear.gather [hbm4b:s14+s4], $0x2800, $0x38;
	[tilespmem:$0x19000] =	vst v63  }
0x46: {  	_ =	swait.ge [sflag:s22], $0x2800  }
0x47: {  	[sflag:s22] =	ssyncset.done $0x0  }
0x48: {  	s16 =	simm.s32 $0xF000;
	s14 =	rddreg [dreg:$0xb];
	[sflag:s22] =	ssyncadd.s32 $0xFFFFD800  }
0x49: {  	[tilespmem:s16], [sflag:$0x9] =	stream.linear.gather [hbm4b:s14+s4], $0x2800, $0x38;
	[tilespmem:$0x19000] =	vst v63  }
0x4a: {  	_ =	swait.ge [sflag:s22], $0x2800  }
0x4b: {  	[sflag:s22] =	ssyncset.done $0x0  }
0x4c: {  	s16 =	simm.s32 $0x11800;
	s14 =	rddreg [dreg:$0xc];
	[sflag:s22] =	ssyncadd.s32 $0xFFFFD800  }
0x4d: {  	[tilespmem:s16], [sflag:$0x9] =	stream.linear.gather [hbm4b:s14+s4], $0x2800, $0x38;
	[tilespmem:$0x19000] =	vst v63  }
0x4e: {  	_ =	swait.ge [sflag:s22], $0x2800  }
0x4f: {  	[sflag:s22] =	ssyncset.done $0x0  }
0x50: {  	s14 =	simm.s32 $0x0;
	[sflag:s22] =	ssyncadd.s32 $0xFFFFD800  }
0x51: {  	v0 =	vld [tilespmem:s14+$0xF000]  }
0x52: {  	v1 =	vld [tilespmem:s14+$0x11800];
	_ =	sdelay $0x4  }
0x53: {  	v0 =	vadd.f32 v1, v0;
	_ =	sdelay $0x1  }
0x54: {  	s12 =	simm.s32 $0x10;
	v0 =	vmax.f32 v0, $1.000000000e+00  }
0x55: {  	v1 =	vld [tilespmem:s12+$0xF000];
	(erf) = vrcp.f32 v0  }
0x56: {  	v0 =	vld [tilespmem:s12+$0x11800]  }
0x57: {  	v2 =	vld [tilespmem:s14+$0xA000]  }
0x58: {  	v3 =	vld [tilespmem:s14+$0xC800];
	_ =	sdelay $0x2  }
0x59: {  	v1 =	vadd.f32 v0, v1  }
0x5a: {  	v0 =	vld [tilespmem:s14+$0x7800]  }
0x5b: {  	s13 =	simm.s32 $0x20;
	v2 =	vadd.f32 v3, v2;
	v4 =	vmax.f32 v1, $1.000000000e+00  }
0x5c: {  	s16 =	simm.s32 $0xC0;
	v1 =	vld [tilespmem:s13+$0xF000];
	(erf) = vrcp.f32 v4;
	v3 =	vpop (erf)  }
.LBB2_2:
0x5d: {  	p1 =	sne.s32 s16, $0x9FC0;
	v4 =	vld [tilespmem:s13+$0x11800];
	v2 =	vmul.f32 v3, v2  }
0x5e: {  	v3 =	vld [tilespmem:s12+$0xA000]  }
0x5f: {  	v5 =	vld [tilespmem:s12+$0xC800];
	v0 =	vadd.f32 v2, v0;
	_ =	sdelay $0x1  }
.Ltmp2:
0x60: {  	v0 =	vmax.f32 v0, $0.0e+00;
	(pc) =	sbr.rel @p1 .LBB2_2-.Ltmp2, $4  }
0x61: {  	v1 =	vadd.f32 v4, v1;
	[tilespmem:s14+$0x7800] =	vst v0;
	s14 =	smov.u32 s12;
	s12 =	smov.u32 s13  }
0x62: {  	v0 =	vld [tilespmem:s14+$0x7800]  }
0x63: {  	s13 =	sshra.s32 s16, $0x2;
	v4 =	vmax.f32 v1, $1.000000000e+00;
	v2 =	vadd.f32 v5, v3  }
0x64: {  	s16 =	sadd.s32 $0x40, s16;
	v1 =	vld [tilespmem:s13+$0xF000];
	(erf) = vrcp.f32 v4;
	v3 =	vpop (erf)  }
0x65: {  	v4 =	vld [tilespmem:s13+$0x11800];
	v2 =	vmul.f32 v3, v2  }
0x66: {  	v55 =	vld [tilespmem:s12+$0xA000]  }
0x67: {  	v5 =	vld [tilespmem:s12+$0xC800];
	v0 =	vadd.f32 v2, v0;
	_ =	sdelay $0x1  }
0x68: {  	v0 =	vmax.f32 v0, $0.0e+00  }
0x69: {  	[tilespmem:s14+$0x7800] =	vst v0;
	v56 =	vadd.f32 v4, v1  }
0x6a: {  	v57 =	vld [tilespmem:s12+$0x7800]  }
0x6b: {  	v58 =	vadd.f32 v5, v55;
	v0 =	vmax.f32 v56, $1.000000000e+00  }
0x6c: {  	(erf) = vrcp.f32 v0;
	v59 =	vpop (erf)  }
0x6d: {  	v0 =	vmul.f32 v59, v58  }
0x6e: {  	v60 =	vld [tilespmem:s13+$0xA000]  }
0x6f: {  	v61 =	vld [tilespmem:s13+$0xC800];
	v0 =	vadd.f32 v0, v57;
	_ =	sdelay $0x1  }
0x70: {  	v0 =	vmax.f32 v0, $0.0e+00  }
0x71: {  	[tilespmem:s12+$0x7800] =	vst v0  }
0x72: {  	v0 =	vld [tilespmem:s13+$0x7800]  }
0x73: {  	v62 =	vadd.f32 v61, v60  }
0x74: {  	v63 =	vpop (erf)  }
0x75: {  	v1 =	vmul.f32 v63, v62;
	_ =	sdelay $0x1  }
0x76: {  	v0 =	vadd.f32 v1, v0;
	_ =	sdelay $0x1  }
0x77: {  	v0 =	vmax.f32 v0, $0.0e+00  }
0x78: {  	[tilespmem:s13+$0x7800] =	vst v0;
	s13 =	rddreg [dreg:$0xd]  }
0x79: {  	[spmem:s13] =	stream.linear.scatter [tilespmem:s25], [sflag:$0x9], $0x2800, $0x38;
	[tilespmem:$0x19000] =	vst v63  }
0x7a: {  	_ =	swait.ge [sflag:s22], $0x2800  }
0x7b: {  	s12 =	simm.s32 @!p0 $0x0;
	[sflag:s22] =	ssyncset.done $0x0  }
0x7c: {  	s13 =	simm.s32 @!p0 $0x7800;
	s14 =	rddreg [dreg:$0xe];
	[sflag:s22] =	ssyncadd.s32 $0xFFFFD800  }
0x7d: {  	[hbm4b:s14+s12] =	stream.linear.scatter @!p0 [tilespmem:s13], [sflag:$0x9], $0x2800, $0x38;
	[tilespmem:$0x19000] =	vst v63  }
0x7e: {  	s12 =	simm.s32 @!p0 $0x9  }
0x7f: {  	_ =	swait.ge @!p0 [sflag:s12], $0x2800  }
0x80: {  	[sflag:s12] =	ssyncset.done @!p0 $0x0  }
0x81: {  	[sflag:s12] =	ssyncadd.s32 @!p0 $0xFFFFD800  }
0x82: {  	[spmem:s15] =	stream.linear.scatter [tilespmem:s24], [sflag:$0x9], $0x800, $0x38;
	[tilespmem:$0x19000] =	vst v63  }
0x83: {  	_ =	swait.ge [sflag:s22], $0x800  }
0x84: {  	[sflag:s22] =	ssyncset.done $0x0  }
0x85: {  	s14 =	rddreg [dreg:$0xf];
	[sflag:s22] =	ssyncadd.s32 $0xFFFFF800  }
0x86: {  	[spmem:s14] =	stream.linear.scatter [tilespmem:s24], [sflag:$0x9], $0x800, $0x38;
	[tilespmem:$0x19000] =	vst v63  }
0x87: {  	_ =	swait.ge [sflag:s22], $0x800  }
0x88: {  	[sflag:s22] =	ssyncset.done $0x0  }
0x89: {  	[sflag:s22] =	ssyncadd.s32 $0xFFFFF800  }
0x8a: {  	[spmem:s17] =	stream.linear.scatter [tilespmem:s24], [sflag:$0x9], $0x800, $0x38;
	[tilespmem:$0x19000] =	vst v63  }
0x8b: {  	_ =	swait.ge [sflag:s22], $0x800  }
0x8c: {  	[sflag:s22] =	ssyncset.done $0x0  }
0x8d: {  	[sflag:s22] =	ssyncadd.s32 $0xFFFFF800  }
0x8e: {  	[spmem:s18] =	stream.linear.scatter [tilespmem:s24], [sflag:$0x9], $0x800, $0x38;
	[tilespmem:$0x19000] =	vst v63  }
0x8f: {  	_ =	swait.ge [sflag:s22], $0x800  }
0x90: {  	[sflag:s22] =	ssyncset.done $0x0  }
0x91: {  	[sflag:s22] =	ssyncadd.s32 $0xFFFFF800  }
0x92: {  	[spmem:s19] =	stream.linear.scatter [tilespmem:s24], [sflag:$0x9], $0x800, $0x38;
	[tilespmem:$0x19000] =	vst v63  }
0x93: {  	_ =	swait.ge [sflag:s22], $0x800  }
0x94: {  	[sflag:s22] =	ssyncset.done $0x0  }
0x95: {  	[sflag:s22] =	ssyncadd.s32 $0xFFFFF800  }
0x96: {  	s12 =	simm.s32 $0x0;
	[bflag:$0x0] =	sbarrier.arrive $0xFFFF  }
0x97: {  	[tilespmem:s1], [sflag:$0x1] =	stream.indirect.gather [spmem:s2], $0x10, s12, s31, $0xb8;
	[tilespmem:$0x19000] =	vst v63  }
0x98: {  	_ = 	snop  }
0x99: {  	[tilespmem:s26], [sflag:$0x2] =	stream.indirect.gather [spmem:s2], $0x10, s31, s31, $0xb8;
	[tilespmem:$0x19000] =	vst v63  }
0x9a: {  	_ =	swait.ge [sflag:s28], $0x800  }
0x9b: {  	[sflag:s28] =	ssyncset.done $0x0  }
0x9c: {  	s16 =	simm.s32 $0x100;
	[sflag:s28] =	ssyncadd.s32 $0xFFFFF800  }
0x9d: {  	[tilespmem:s29], [sflag:$0x3] =	stream.indirect.gather [spmem:s2], $0x10, s16, s31, $0xb8;
	[tilespmem:$0x19000] =	vst v63  }
0x9e: {  	_ = 	snop  }
0x9f: {  	[spmem:s3] =	stream.indirect.scatter.add.f32 [tilespmem:s1], [sflag:$0x5], $0x10, s23, s31, $0xb8;
	[tilespmem:$0x19000] =	vst v63  }
0xa0: {  	_ =	swait.ge [sflag:s30], $0x800  }
0xa1: {  	[sflag:s30] =	ssyncset.done $0x0  }
0xa2: {  	s14 =	simm.s32 $0x180;
	[sflag:s30] =	ssyncadd.s32 $0xFFFFF800  }
0xa3: {  	[tilespmem:s0], [sflag:$0x4] =	stream.indirect.gather [spmem:s2], $0x10, s14, s31, $0xb8;
	[tilespmem:$0x19000] =	vst v63  }
0xa4: {  	s16 =	simm.s32 $0x2880  }
0xa5: {  	[spmem:s3] =	stream.indirect.scatter.add.f32 [tilespmem:s26], [sflag:$0x6], $0x10, s16, s31, $0xb8;
	[tilespmem:$0x19000] =	vst v63  }
0xa6: {  	_ =	swait.ge [sflag:s5], $0x800  }
0xa7: {  	[sflag:s5] =	ssyncset.done $0x0  }
0xa8: {  	[sflag:s5] =	ssyncadd.s32 $0xFFFFF800  }
0xa9: {  	_ =	swait.ge [sflag:s6], $0x800  }
0xaa: {  	[sflag:s6] =	ssyncset.done $0x0  }
0xab: {  	s14 =	simm.s32 $0x200;
	[sflag:s6] =	ssyncadd.s32 $0xFFFFF800  }
0xac: {  	[tilespmem:s1], [sflag:$0x1] =	stream.indirect.gather [spmem:s2], $0x10, s14, s31, $0xb8;
	[tilespmem:$0x19000] =	vst v63  }
0xad: {  	s16 =	simm.s32 $0x2900  }
0xae: {  	[spmem:s3] =	stream.indirect.scatter.add.f32 [tilespmem:s29], [sflag:$0x7], $0x10, s16, s31, $0xb8;
	[tilespmem:$0x19000] =	vst v63  }
0xaf: {  	_ =	swait.ge [sflag:s7], $0x800  }
0xb0: {  	[sflag:s7] =	ssyncset.done $0x0  }
0xb1: {  	[sflag:s7] =	ssyncadd.s32 $0xFFFFF800  }
0xb2: {  	_ =	swait.ge [sflag:s8], $0x800  }
0xb3: {  	[sflag:s8] =	ssyncset.done $0x0  }
0xb4: {  	s14 =	simm.s32 $0x280;
	[sflag:s8] =	ssyncadd.s32 $0xFFFFF800  }
0xb5: {  	[tilespmem:s26], [sflag:$0x2] =	stream.indirect.gather [spmem:s2], $0x10, s14, s31, $0xb8;
	[tilespmem:$0x19000] =	vst v63  }
0xb6: {  	s16 =	simm.s32 $0x2980  }
0xb7: {  	[spmem:s3] =	stream.indirect.scatter.add.f32 [tilespmem:s0], [sflag:$0x8], $0x10, s16, s31, $0xb8;
	[tilespmem:$0x19000] =	vst v63  }
.LBB2_4:
0xb8: {  	_ =	swait.ge [sflag:s28], $0x800  }
0xb9: {  	[sflag:s28] =	ssyncset.done $0x0  }
0xba: {  	[sflag:s28] =	ssyncadd.s32 $0xFFFFF800  }
0xbb: {  	_ =	swait.ge [sflag:s9], $0x800  }
0xbc: {  	s13 =	sshra.s32 s12, $0x2;
	[sflag:s9] =	ssyncset.done $0x0  }
0xbd: {  	s14 =	sadd.s32 $0x300, s13;
	[sflag:s9] =	ssyncadd.s32 $0xFFFFF800  }
0xbe: {  	[tilespmem:s29], [sflag:$0x3] =	stream.indirect.gather [spmem:s2], $0x10, s14, s31, $0xb8;
	[tilespmem:$0x19000] =	vst v63  }
0xbf: {  	s16 =	sadd.s32 $0x2A00, s13  }
0xc0: {  	[spmem:s3] =	stream.indirect.scatter.add.f32 [tilespmem:s1], [sflag:$0x5], $0x10, s16, s31, $0xb8;
	[tilespmem:$0x19000] =	vst v63  }
0xc1: {  	_ =	swait.ge [sflag:s30], $0x800  }
0xc2: {  	[sflag:s30] =	ssyncset.done $0x0  }
0xc3: {  	[sflag:s30] =	ssyncadd.s32 $0xFFFFF800  }
0xc4: {  	_ =	swait.ge [sflag:s10], $0x800  }
0xc5: {  	[sflag:s10] =	ssyncset.done $0x0  }
0xc6: {  	s16 =	sadd.s32 $0x380, s13;
	[sflag:s10] =	ssyncadd.s32 $0xFFFFF800  }
0xc7: {  	[tilespmem:s0], [sflag:$0x4] =	stream.indirect.gather [spmem:s2], $0x10, s16, s31, $0xb8;
	[tilespmem:$0x19000] =	vst v63  }
0xc8: {  	s16 =	sadd.s32 $0x2A80, s13  }
0xc9: {  	[spmem:s3] =	stream.indirect.scatter.add.f32 [tilespmem:s26], [sflag:$0x6], $0x10, s16, s31, $0xb8;
	[tilespmem:$0x19000] =	vst v63  }
0xca: {  	p1 =	seq.s32 s12, $0x9000;
	_ =	swait.ge [sflag:s5], $0x800  }
.Ltmp3:
0xcb: {  	[sflag:s5] =	ssyncset.done $0x0;
	(pc) =	sbr.rel @p1 .LBB2_6-.Ltmp3, $4  }
0xcc: {  	[sflag:s5] =	ssyncadd.s32 $0xFFFFF800  }
0xcd: {  	_ =	swait.ge [sflag:s6], $0x800  }
0xce: {  	[sflag:s6] =	ssyncset.done $0x0  }
0xcf: {  	s14 =	sadd.s32 $0x2B00, s13;
	[sflag:s6] =	ssyncadd.s32 $0xFFFFF800  }
0xd0: {  	s16 =	sadd.s32 $0x400, s13  }
0xd1: {  	[tilespmem:s1], [sflag:$0x1] =	stream.indirect.gather [spmem:s2], $0x10, s16, s31, $0xb8;
	[tilespmem:$0x19000] =	vst v63  }
0xd2: {  	_ = 	snop  }
0xd3: {  	[spmem:s3] =	stream.indirect.scatter.add.f32 [tilespmem:s29], [sflag:$0x7], $0x10, s14, s31, $0xb8;
	[tilespmem:$0x19000] =	vst v63  }
0xd4: {  	_ =	swait.ge [sflag:s7], $0x800  }
0xd5: {  	[sflag:s7] =	ssyncset.done $0x0  }
0xd6: {  	[sflag:s7] =	ssyncadd.s32 $0xFFFFF800  }
0xd7: {  	_ =	swait.ge [sflag:s8], $0x800  }
.Ltmp4:
0xd8: {  	[sflag:s8] =	ssyncset.done $0x0;
	(pc) =	sbr.rel .LBB2_4-.Ltmp4, $4  }
0xd9: {  	s16 =	sadd.s32 $0x480, s13;
	[sflag:s8] =	ssyncadd.s32 $0xFFFFF800  }
0xda: {  	[tilespmem:s26], [sflag:$0x2] =	stream.indirect.gather [spmem:s2], $0x10, s16, s31, $0xb8;
	[tilespmem:$0x19000] =	vst v63  }
0xdb: {  	s12 =	sadd.s32 $0x800, s12;
	s16 =	sadd.s32 $0x2B80, s13  }
0xdc: {  	[spmem:s3] =	stream.indirect.scatter.add.f32 [tilespmem:s0], [sflag:$0x8], $0x10, s16, s31, $0xb8;
	[tilespmem:$0x19000] =	vst v63  }
.LBB2_7:
0xdd: {  	_ =	sfence.sel $0x180000  }
0xde: {  	[bflag:$0x0] =	sbarrier.arrive $0xFFFF  }
0xdf: {  	_ =	strace $0x9000004A  }
0xe0: {  	s0 =	stileid.u32;
	[bflag:$0x2] =	sbarrier.arrive $0xFFFF  }
0xe1: {  	p0 =	sne.s32 s0, $0x0;
	s0 =	rddreg [dreg:$0x4]  }
0xe2: {  	s0 =	sadd.s32 @!p0 $0x100000, s0  }
0xe3: {  	[sflag:s0] =	ssyncadd.tile.s32 @!p0 $0x1;
	_ =	shalt  }
.Lfunc_end2:
_tile_overlayer_lowered:
.L_overlay_start_2:
0xe4: {  	(tag) =	ssettag $0x2  }
0xe5: {  	s0 =	rddreg [dreg:$0x0];
	s2 =	stileid.u32  }
0xe6: {  	s1 =	rddreg [dreg:$0x1];
	p0 =	sne.s32 s2, $0x0  }
0xe7: {  	s3 =	rddreg [dreg:$0x2];
	[bflag:$0x3] =	sbarrier.arrive $0xFFFF;
	s2 =	simm.s32 @!p0 $0x1C09  }
0xe8: {  	[timem:s3], [sflag:s2] =	dma.local @!p0 [hbm:s0], s1  }
0xe9: {  	s0 =	simm.s32 @!p0 $0x9  }
0xea: {  	_ =	swait.ge @!p0 [sflag:s0], s1  }
0xeb: {  	s1 =	ssub.s32 @!p0 $0x0, s1;
	[sflag:s0] =	ssyncset.done @!p0 $0x0  }
0xec: {  	[sflag:s0] =	ssyncadd.s32 @!p0 s1  }
0xed: {  	[bflag:$0x3] =	sbarrier.arrive $0xFFFF  }
0xee: {  	_ =	shalt  }

</sc_bundles>
